<compile_context>
chip_gen: v7x
topology: tpu7x:2x2x1
jax: 0.10.2.dev20260603
libtpu: 0.0.44.dev20260713+nightly
codegen_flags: <defaults>
</compile_context>

<pallas_src>
import functools

import jax
import jax.numpy as jnp
from jax import lax
from jax.experimental import pallas as pl
from jax.experimental.pallas import tpu as pltpu
from jax.experimental.pallas import tpu_sc as plsc

BATCH = 16384
EMB = 128

_INFO = plsc.get_sparse_core_info()
_NC, _NS = _INFO.num_cores, _INFO.num_subcores
_NW = _NC * _NS
_CH = 128

_mesh = plsc.VectorSubcoreMesh(core_axis_name="c", subcore_axis_name="s")

_SPLITS = (12288, 4096)


def _make_sc(nrows):
    bpw = nrows // _NW
    nch = bpw // _CH

    @functools.partial(
        pl.kernel,
        mesh=_mesh,
        out_type=[jax.ShapeDtypeStruct((nrows, EMB), jnp.float32)] * 4,
        scratch_types=[
            pltpu.VMEM((nch, _CH), jnp.int32),
            pltpu.VMEM((nch, _CH), jnp.int32),
            pltpu.VMEM((2, nch * _CH, EMB), jnp.float32),
            [pltpu.SemaphoreType.DMA] * 2,
            [pltpu.SemaphoreType.DMA] * 2,
            [pltpu.SemaphoreType.DMA] * 2,
        ],
    )
    def sc_gather4(uidx_hbm, midx_hbm, ug_t, mg_t, um_t, mm_t,
                   ug_o, mg_o, um_o, mm_o,
                   uvec, mvec, ring, gsems, ssems, isems):
        wid = lax.axis_index("s") * _NC + lax.axis_index("c")
        base = wid * bpw
        idx_copies = []
        for c in range(nch):
            for src_hbm, dst, s in ((uidx_hbm, uvec, 0), (midx_hbm, mvec, 1)):
                d = pltpu.make_async_copy(
                    src_hbm.at[pl.ds(base + c * _CH, _CH)], dst.at[c],
                    isems[s])
                d.start()
                idx_copies.append(d)
        for d in idx_copies:
            d.wait()

        tables = ((ug_t, uvec, ug_o), (mg_t, mvec, mg_o),
                  (um_t, uvec, um_o), (mm_t, mvec, mm_o))

        def gat(t, c):
            tab, ivec, _ = tables[t]
            return pltpu.make_async_copy(
                tab.at[ivec.at[c]],
                ring.at[t % 2, pl.ds(c * _CH, _CH)], gsems[t % 2])

        def store(t):
            _, _, out = tables[t]
            return pltpu.make_async_copy(ring.at[t % 2],
                                         out.at[pl.ds(base, nch * _CH)],
                                         ssems[t % 2])

        for t in range(4):
            if t >= 2:
                store(t - 2).wait()
            for c in range(nch):
                gat(t, c).start()
            if t >= 1:
                for c in range(nch):
                    gat(t - 1, c).wait()
                store(t - 1).start()
        for c in range(nch):
            gat(3, c).wait()
        store(3).start()
        store(2).wait()
        store(3).wait()

    return sc_gather4


def _nt(a, b):
    return lax.dot_general(a, b, (((1,), (1,)), ((), ())),
                           preferred_element_type=jnp.float32)


def _tc_body(ug, mg, um, mm, gmfwr, w0at, w0bt, b0c, w1t, b1c, w2t, b2c,
             w3t, b3c, fmwt, cconst, out_ref):
    h = jnp.maximum(_nt(w0at[...], um[...]) + _nt(w0bt[...], mm[...])
                    + b0c[...], 0.0)
    h = jnp.maximum(jnp.dot(w1t[...], h, preferred_element_type=jnp.float32)
                    + b1c[...], 0.0)
    h = jnp.maximum(jnp.dot(w2t[...], h, preferred_element_type=jnp.float32)
                    + b2c[...], 0.0)
    h = jnp.maximum(jnp.dot(w3t[...], h, preferred_element_type=jnp.float32)
                    + b3c[...], 0.0)
    m = jnp.dot(fmwt[...], h, preferred_element_type=jnp.float32)
    g = _nt(gmfwr[...], ug[...] * mg[...])
    out_ref[...] = (m + g + cconst[...])[0]


def _full(shape):
    return pl.BlockSpec(shape, lambda i: (0, 0))


def _row(shape):
    return pl.BlockSpec(shape, lambda i: (i, 0))


def _make_tc(nrows):
    bm = nrows if nrows <= 4096 else nrows // 2
    return pl.pallas_call(
        _tc_body,
        grid=(nrows // bm,),
        in_specs=[
            _row((bm, EMB)),
            _row((bm, EMB)),
            _row((bm, EMB)),
            _row((bm, EMB)),
            _full((1, EMB)),
            _full((64, EMB)),
            _full((64, EMB)),
            _full((64, 1)),
            _full((32, 64)),
            _full((32, 1)),
            _full((16, 32)),
            _full((16, 1)),
            _full((8, 16)),
            _full((8, 1)),
            _full((1, 8)),
            _full((1, 1)),
        ],
        out_specs=pl.BlockSpec((bm,), lambda i: (i,)),
        out_shape=jax.ShapeDtypeStruct((nrows,), jnp.float32),
    )


_SC_CALLS = {n: _make_sc(n) for n in set(_SPLITS)}
_TC_CALLS = {n: _make_tc(n) for n in set(_SPLITS)}


def kernel(X, user_emb_gmf, movie_emb_gmf, user_emb_mlp, movie_emb_mlp,
           gmf_w, gmf_b, final_mlp_w, final_mlp_b, final_w, final_b,
           mlp_w0, mlp_b0, mlp_w1, mlp_b1, mlp_w2, mlp_b2, mlp_w3, mlp_b3):
    user = X[:, 0]
    movie = X[:, 1]
    fw0 = final_w[0, 0]
    fw1 = final_w[1, 0]
    gmfwr = (gmf_w[:, 0] * fw0).reshape(1, EMB)
    fmwt = (final_mlp_w[:, 0] * fw1).reshape(1, 8)
    cconst = (final_b[0] + fw0 * gmf_b[0] + fw1 * final_mlp_b[0]).reshape(1, 1)
    wts = (gmfwr, mlp_w0[:EMB].T, mlp_w0[EMB:].T, mlp_b0.reshape(-1, 1),
           mlp_w1.T, mlp_b1.reshape(-1, 1), mlp_w2.T, mlp_b2.reshape(-1, 1),
           mlp_w3.T, mlp_b3.reshape(-1, 1), fmwt, cconst)
    outs = []
    off = 0
    for nrows in _SPLITS:
        sl = slice(off, off + nrows)
        off += nrows
        ug, mg, um, mm = _SC_CALLS[nrows](user[sl], movie[sl],
                                          user_emb_gmf, movie_emb_gmf,
                                          user_emb_mlp, movie_emb_mlp)
        outs.append(_TC_CALLS[nrows](ug, mg, um, mm, *wts))
    return jnp.concatenate(outs).reshape(BATCH, 1)

# --- scband reference (transcript-rebuilt; emitter-appended) ---
"""Pipeline reference for scband-ncf-19696720019680 (READ-ONLY COPY).

The authoritative reference and input builder live on the scoring server;
editing this copy changes nothing except your own understanding.
"""

import jax, jax.numpy as jnp
import numpy as np

N_USERS = 480190
N_MOVIES = 17771
EMB = 128
BATCH = 16384
HIDDEN = [64, 32, 16, 8]


def setup_inputs(seed: int = 0) -> dict:
    key = jax.random.key(seed)
    ks = jax.random.split(key, 24)
    users = jax.random.randint(ks[0], (BATCH,), 0, N_USERS, dtype=jnp.int32)
    movies = jax.random.randint(ks[1], (BATCH,), 0, N_MOVIES, dtype=jnp.int32)
    X = jnp.stack([users, movies], axis=1)
    inp = {
        "X": X,
        "user_emb_gmf": jax.random.normal(ks[2], (N_USERS, EMB), dtype=jnp.float32) * 0.05,
        "movie_emb_gmf": jax.random.normal(ks[3], (N_MOVIES, EMB), dtype=jnp.float32) * 0.05,
        "user_emb_mlp": jax.random.normal(ks[4], (N_USERS, EMB), dtype=jnp.float32) * 0.05,
        "movie_emb_mlp": jax.random.normal(ks[5], (N_MOVIES, EMB), dtype=jnp.float32) * 0.05,
        "gmf_w": jax.random.normal(ks[6], (EMB, 1), dtype=jnp.float32) * 0.05,
        "gmf_b": jnp.zeros((1,), dtype=jnp.float32),
        "final_mlp_w": jax.random.normal(ks[7], (HIDDEN[-1], 1), dtype=jnp.float32) * 0.05,
        "final_mlp_b": jnp.zeros((1,), dtype=jnp.float32),
        "final_w": jax.random.normal(ks[8], (2, 1), dtype=jnp.float32) * 0.05,
        "final_b": jnp.zeros((1,), dtype=jnp.float32),
    }
    in_size = EMB * 2
    for i, h in enumerate(HIDDEN):
        inp[f"mlp_w{i}"] = jax.random.normal(ks[9 + 2 * i], (in_size, h), dtype=jnp.float32) * (1.0 / np.sqrt(in_size))
        inp[f"mlp_b{i}"] = jnp.zeros((h,), dtype=jnp.float32)
        in_size = h
    return inp


def reference(X, user_emb_gmf, movie_emb_gmf, user_emb_mlp, movie_emb_mlp,
              gmf_w, gmf_b, final_mlp_w, final_mlp_b, final_w, final_b,
              mlp_w0, mlp_b0, mlp_w1, mlp_b1, mlp_w2, mlp_b2, mlp_w3, mlp_b3):
    user = X[:, 0]
    movie = X[:, 1]
    # user_id_mapping is an identity remap here (maps raw ids to contiguous range)
    ug = jnp.take(user_emb_gmf, user, axis=0)
    mg = jnp.take(movie_emb_gmf, movie, axis=0)
    gmf_out = (ug * mg) @ gmf_w + gmf_b
    um = jnp.take(user_emb_mlp, user, axis=0)
    mm = jnp.take(movie_emb_mlp, movie, axis=0)
    h = jnp.concatenate([um, mm], axis=-1)
    for w, b in [(mlp_w0, mlp_b0), (mlp_w1, mlp_b1), (mlp_w2, mlp_b2), (mlp_w3, mlp_b3)]:
        h = jax.nn.relu(h @ w + b)
    mlp_out = h @ final_mlp_w + final_mlp_b
    final_in = jnp.concatenate([gmf_out, mlp_out], axis=-1)
    out = final_in @ final_w + final_b
    return out

if __name__ == "__main__":
    import jax
    _d = setup_inputs()
    print(jax.jit(kernel)(*tuple(_d.values())))

</pallas_src>

<mosaic_0001>
#map = affine_map<(d0, d1) -> (0)>
#map1 = affine_map<(d0, d1) -> (0, 0)>
module attributes {stable_mosaic.version = 14 : i64} {
  func.func @sc_gather4(%arg0: i32, %arg1: i32, %arg2: memref<12288xi32, #tpu.memory_space<hbm>>, %arg3: memref<12288xi32, #tpu.memory_space<hbm>>, %arg4: memref<480190x128xf32, #tpu.memory_space<hbm>>, %arg5: memref<17771x128xf32, #tpu.memory_space<hbm>>, %arg6: memref<480190x128xf32, #tpu.memory_space<hbm>>, %arg7: memref<17771x128xf32, #tpu.memory_space<hbm>>, %arg8: memref<12288x128xf32, #tpu.memory_space<hbm>>, %arg9: memref<12288x128xf32, #tpu.memory_space<hbm>>, %arg10: memref<12288x128xf32, #tpu.memory_space<hbm>>, %arg11: memref<12288x128xf32, #tpu.memory_space<hbm>>, %arg12: memref<3x128xi32, #tpu.memory_space<vmem>>, %arg13: memref<3x128xi32, #tpu.memory_space<vmem>>, %arg14: memref<2x384x128xf32, #tpu.memory_space<vmem>>, %arg15: memref<!tpu.dma_semaphore, #tpu.memory_space<semaphore_mem>>, %arg16: memref<!tpu.dma_semaphore, #tpu.memory_space<semaphore_mem>>, %arg17: memref<!tpu.dma_semaphore, #tpu.memory_space<semaphore_mem>>, %arg18: memref<!tpu.dma_semaphore, #tpu.memory_space<semaphore_mem>>, %arg19: memref<!tpu.dma_semaphore, #tpu.memory_space<semaphore_mem>>, %arg20: memref<!tpu.dma_semaphore, #tpu.memory_space<semaphore_mem>>) attributes {dimension_semantics = [#tpu.dimension_semantics<core_parallel>, #tpu.dimension_semantics<subcore_parallel>], iteration_bounds = array<i64: 2, 16>, scalar_prefetch = 0 : i64, scratch_operands = 9 : i64, tpu.core_type = #tpu.core_type<sc_vector_subcore>, window_params = [{transform_indices = #map}, {transform_indices = #map}, {transform_indices = #map1}, {transform_indices = #map1}, {transform_indices = #map1}, {transform_indices = #map1}, {transform_indices = #map1}, {transform_indices = #map1}, {transform_indices = #map1}, {transform_indices = #map1}]} {
    %mul3A = arith.constant 2 : i32
    %mul3A_0 = arith.muli %arg1, %mul3A : i32
    %add3A = arith.addi %mul3A_0, %arg0 : i32
    %mul3A_1 = arith.constant 384 : i32
    %mul3A_2 = arith.muli %add3A, %mul3A_1 : i32
    %add3A_3 = arith.constant 0 : i32
    %add3A_4 = arith.addi %mul3A_2, %add3A_3 : i32
    %dma_start3A = arith.constant 0 : i32
    %dma_start3A_5 = arith.constant 0 : i32
    %dma_start3A_6 = tpu.memref_slice %arg12[%dma_start3A, %dma_start3A_5] : memref<3x128xi32, #tpu.memory_space<vmem>> -> memref<1x128xi32, #tpu.memory_space<vmem>>
    %dma_start3A_7 = tpu.memref_squeeze %dma_start3A_6 : memref<1x128xi32, #tpu.memory_space<vmem>> -> memref<128xi32, #tpu.memory_space<vmem>>
    %dma_start3A_8 = tpu.memref_slice %arg2[%add3A_4] : memref<12288xi32, #tpu.memory_space<hbm>> -> memref<128xi32, #tpu.memory_space<hbm>>
    %dma_start3A_9 = arith.constant 0 : i32
    %dma_start3A_10 = tpu.memref_slice %arg12[%dma_start3A, %dma_start3A_9] : memref<3x128xi32, #tpu.memory_space<vmem>> -> memref<1x128xi32, #tpu.memory_space<vmem>>
    %dma_start3A_11 = tpu.memref_squeeze %dma_start3A_10 : memref<1x128xi32, #tpu.memory_space<vmem>> -> memref<128xi32, #tpu.memory_space<vmem>>
    %dma_start3A_12 = tpu.memref_slice %arg2[%add3A_4] : memref<12288xi32, #tpu.memory_space<hbm>> -> memref<128xi32, #tpu.memory_space<hbm>>
    tpu.enqueue_dma source(%dma_start3A_12 : memref<128xi32, #tpu.memory_space<hbm>>) target(%dma_start3A_11 : memref<128xi32, #tpu.memory_space<vmem>>) target_semaphore(%arg19 : memref<!tpu.dma_semaphore, #tpu.memory_space<semaphore_mem>>)
    %add3A_13 = arith.constant 0 : i32
    %add3A_14 = arith.addi %mul3A_2, %add3A_13 : i32
    %dma_start3A_15 = arith.constant 0 : i32
    %dma_start3A_16 = arith.constant 0 : i32
    %dma_start3A_17 = tpu.memref_slice %arg13[%dma_start3A_15, %dma_start3A_16] : memref<3x128xi32, #tpu.memory_space<vmem>> -> memref<1x128xi32, #tpu.memory_space<vmem>>
    %dma_start3A_18 = tpu.memref_squeeze %dma_start3A_17 : memref<1x128xi32, #tpu.memory_space<vmem>> -> memref<128xi32, #tpu.memory_space<vmem>>
    %dma_start3A_19 = tpu.memref_slice %arg3[%add3A_14] : memref<12288xi32, #tpu.memory_space<hbm>> -> memref<128xi32, #tpu.memory_space<hbm>>
    %dma_start3A_20 = arith.constant 0 : i32
    %dma_start3A_21 = tpu.memref_slice %arg13[%dma_start3A_15, %dma_start3A_20] : memref<3x128xi32, #tpu.memory_space<vmem>> -> memref<1x128xi32, #tpu.memory_space<vmem>>
    %dma_start3A_22 = tpu.memref_squeeze %dma_start3A_21 : memref<1x128xi32, #tpu.memory_space<vmem>> -> memref<128xi32, #tpu.memory_space<vmem>>
    %dma_start3A_23 = tpu.memref_slice %arg3[%add3A_14] : memref<12288xi32, #tpu.memory_space<hbm>> -> memref<128xi32, #tpu.memory_space<hbm>>
    tpu.enqueue_dma source(%dma_start3A_23 : memref<128xi32, #tpu.memory_space<hbm>>) target(%dma_start3A_22 : memref<128xi32, #tpu.memory_space<vmem>>) target_semaphore(%arg20 : memref<!tpu.dma_semaphore, #tpu.memory_space<semaphore_mem>>)
    %add3A_24 = arith.constant 128 : i32
    %add3A_25 = arith.addi %mul3A_2, %add3A_24 : i32
    %dma_start3A_26 = arith.constant 1 : i32
    %dma_start3A_27 = arith.constant 0 : i32
    %dma_start3A_28 = tpu.memref_slice %arg12[%dma_start3A_26, %dma_start3A_27] : memref<3x128xi32, #tpu.memory_space<vmem>> -> memref<1x128xi32, #tpu.memory_space<vmem>>
    %dma_start3A_29 = tpu.memref_squeeze %dma_start3A_28 : memref<1x128xi32, #tpu.memory_space<vmem>> -> memref<128xi32, #tpu.memory_space<vmem>>
    %dma_start3A_30 = tpu.memref_slice %arg2[%add3A_25] : memref<12288xi32, #tpu.memory_space<hbm>> -> memref<128xi32, #tpu.memory_space<hbm>>
    %dma_start3A_31 = arith.constant 0 : i32
    %dma_start3A_32 = tpu.memref_slice %arg12[%dma_start3A_26, %dma_start3A_31] : memref<3x128xi32, #tpu.memory_space<vmem>> -> memref<1x128xi32, #tpu.memory_space<vmem>>
    %dma_start3A_33 = tpu.memref_squeeze %dma_start3A_32 : memref<1x128xi32, #tpu.memory_space<vmem>> -> memref<128xi32, #tpu.memory_space<vmem>>
    %dma_start3A_34 = tpu.memref_slice %arg2[%add3A_25] : memref<12288xi32, #tpu.memory_space<hbm>> -> memref<128xi32, #tpu.memory_space<hbm>>
    tpu.enqueue_dma source(%dma_start3A_34 : memref<128xi32, #tpu.memory_space<hbm>>) target(%dma_start3A_33 : memref<128xi32, #tpu.memory_space<vmem>>) target_semaphore(%arg19 : memref<!tpu.dma_semaphore, #tpu.memory_space<semaphore_mem>>)
    %add3A_35 = arith.constant 128 : i32
    %add3A_36 = arith.addi %mul3A_2, %add3A_35 : i32
    %dma_start3A_37 = arith.constant 1 : i32
    %dma_start3A_38 = arith.constant 0 : i32
    %dma_start3A_39 = tpu.memref_slice %arg13[%dma_start3A_37, %dma_start3A_38] : memref<3x128xi32, #tpu.memory_space<vmem>> -> memref<1x128xi32, #tpu.memory_space<vmem>>
    %dma_start3A_40 = tpu.memref_squeeze %dma_start3A_39 : memref<1x128xi32, #tpu.memory_space<vmem>> -> memref<128xi32, #tpu.memory_space<vmem>>
    %dma_start3A_41 = tpu.memref_slice %arg3[%add3A_36] : memref<12288xi32, #tpu.memory_space<hbm>> -> memref<128xi32, #tpu.memory_space<hbm>>
    %dma_start3A_42 = arith.constant 0 : i32
    %dma_start3A_43 = tpu.memref_slice %arg13[%dma_start3A_37, %dma_start3A_42] : memref<3x128xi32, #tpu.memory_space<vmem>> -> memref<1x128xi32, #tpu.memory_space<vmem>>
    %dma_start3A_44 = tpu.memref_squeeze %dma_start3A_43 : memref<1x128xi32, #tpu.memory_space<vmem>> -> memref<128xi32, #tpu.memory_space<vmem>>
    %dma_start3A_45 = tpu.memref_slice %arg3[%add3A_36] : memref<12288xi32, #tpu.memory_space<hbm>> -> memref<128xi32, #tpu.memory_space<hbm>>
    tpu.enqueue_dma source(%dma_start3A_45 : memref<128xi32, #tpu.memory_space<hbm>>) target(%dma_start3A_44 : memref<128xi32, #tpu.memory_space<vmem>>) target_semaphore(%arg20 : memref<!tpu.dma_semaphore, #tpu.memory_space<semaphore_mem>>)
    %add3A_46 = arith.constant 256 : i32
    %add3A_47 = arith.addi %mul3A_2, %add3A_46 : i32
    %dma_start3A_48 = arith.constant 2 : i32
    %dma_start3A_49 = arith.constant 0 : i32
    %dma_start3A_50 = tpu.memref_slice %arg12[%dma_start3A_48, %dma_start3A_49] : memref<3x128xi32, #tpu.memory_space<vmem>> -> memref<1x128xi32, #tpu.memory_space<vmem>>
    %dma_start3A_51 = tpu.memref_squeeze %dma_start3A_50 : memref<1x128xi32, #tpu.memory_space<vmem>> -> memref<128xi32, #tpu.memory_space<vmem>>
    %dma_start3A_52 = tpu.memref_slice %arg2[%add3A_47] : memref<12288xi32, #tpu.memory_space<hbm>> -> memref<128xi32, #tpu.memory_space<hbm>>
    %dma_start3A_53 = arith.constant 0 : i32
    %dma_start3A_54 = tpu.memref_slice %arg12[%dma_start3A_48, %dma_start3A_53] : memref<3x128xi32, #tpu.memory_space<vmem>> -> memref<1x128xi32, #tpu.memory_space<vmem>>
    %dma_start3A_55 = tpu.memref_squeeze %dma_start3A_54 : memref<1x128xi32, #tpu.memory_space<vmem>> -> memref<128xi32, #tpu.memory_space<vmem>>
    %dma_start3A_56 = tpu.memref_slice %arg2[%add3A_47] : memref<12288xi32, #tpu.memory_space<hbm>> -> memref<128xi32, #tpu.memory_space<hbm>>
    tpu.enqueue_dma source(%dma_start3A_56 : memref<128xi32, #tpu.memory_space<hbm>>) target(%dma_start3A_55 : memref<128xi32, #tpu.memory_space<vmem>>) target_semaphore(%arg19 : memref<!tpu.dma_semaphore, #tpu.memory_space<semaphore_mem>>)
    %add3A_57 = arith.constant 256 : i32
    %add3A_58 = arith.addi %mul3A_2, %add3A_57 : i32
    %dma_start3A_59 = arith.constant 2 : i32
    %dma_start3A_60 = arith.constant 0 : i32
    %dma_start3A_61 = tpu.memref_slice %arg13[%dma_start3A_59, %dma_start3A_60] : memref<3x128xi32, #tpu.memory_space<vmem>> -> memref<1x128xi32, #tpu.memory_space<vmem>>
    %dma_start3A_62 = tpu.memref_squeeze %dma_start3A_61 : memref<1x128xi32, #tpu.memory_space<vmem>> -> memref<128xi32, #tpu.memory_space<vmem>>
    %dma_start3A_63 = tpu.memref_slice %arg3[%add3A_58] : memref<12288xi32, #tpu.memory_space<hbm>> -> memref<128xi32, #tpu.memory_space<hbm>>
    %dma_start3A_64 = arith.constant 0 : i32
    %dma_start3A_65 = tpu.memref_slice %arg13[%dma_start3A_59, %dma_start3A_64] : memref<3x128xi32, #tpu.memory_space<vmem>> -> memref<1x128xi32, #tpu.memory_space<vmem>>
    %dma_start3A_66 = tpu.memref_squeeze %dma_start3A_65 : memref<1x128xi32, #tpu.memory_space<vmem>> -> memref<128xi32, #tpu.memory_space<vmem>>
    %dma_start3A_67 = tpu.memref_slice %arg3[%add3A_58] : memref<12288xi32, #tpu.memory_space<hbm>> -> memref<128xi32, #tpu.memory_space<hbm>>
    tpu.enqueue_dma source(%dma_start3A_67 : memref<128xi32, #tpu.memory_space<hbm>>) target(%dma_start3A_66 : memref<128xi32, #tpu.memory_space<vmem>>) target_semaphore(%arg20 : memref<!tpu.dma_semaphore, #tpu.memory_space<semaphore_mem>>)
    %dma_wait3A = arith.constant 0 : i32
    %dma_wait3A_68 = arith.constant 0 : i32
    %dma_wait3A_69 = tpu.memref_slice %arg12[%dma_wait3A, %dma_wait3A_68] : memref<3x128xi32, #tpu.memory_space<vmem>> -> memref<1x128xi32, #tpu.memory_space<vmem>>
    %dma_wait3A_70 = tpu.memref_squeeze %dma_wait3A_69 : memref<1x128xi32, #tpu.memory_space<vmem>> -> memref<128xi32, #tpu.memory_space<vmem>>
    %dma_wait3A_71 = tpu.memref_slice %arg2[%add3A_4] : memref<12288xi32, #tpu.memory_space<hbm>> -> memref<128xi32, #tpu.memory_space<hbm>>
    %dma_wait3A_72 = arith.constant 0 : i32
    %dma_wait3A_73 = tpu.memref_slice %arg12[%dma_wait3A, %dma_wait3A_72] : memref<3x128xi32, #tpu.memory_space<vmem>> -> memref<1x128xi32, #tpu.memory_space<vmem>>
    %dma_wait3A_74 = tpu.memref_squeeze %dma_wait3A_73 : memref<1x128xi32, #tpu.memory_space<vmem>> -> memref<128xi32, #tpu.memory_space<vmem>>
    %dma_wait3A_75 = tpu.memref_slice %arg2[%add3A_4] : memref<12288xi32, #tpu.memory_space<hbm>> -> memref<128xi32, #tpu.memory_space<hbm>>
    tpu.wait_dma2 semaphore(%arg19 : memref<!tpu.dma_semaphore, #tpu.memory_space<semaphore_mem>>) src(%dma_wait3A_75 : memref<128xi32, #tpu.memory_space<hbm>>) dst(%dma_wait3A_74 : memref<128xi32, #tpu.memory_space<vmem>>)
    %dma_wait3A_76 = arith.constant 0 : i32
    %dma_wait3A_77 = arith.constant 0 : i32
    %dma_wait3A_78 = tpu.memref_slice %arg13[%dma_wait3A_76, %dma_wait3A_77] : memref<3x128xi32, #tpu.memory_space<vmem>> -> memref<1x128xi32, #tpu.memory_space<vmem>>
    %dma_wait3A_79 = tpu.memref_squeeze %dma_wait3A_78 : memref<1x128xi32, #tpu.memory_space<vmem>> -> memref<128xi32, #tpu.memory_space<vmem>>
    %dma_wait3A_80 = tpu.memref_slice %arg3[%add3A_14] : memref<12288xi32, #tpu.memory_space<hbm>> -> memref<128xi32, #tpu.memory_space<hbm>>
    %dma_wait3A_81 = arith.constant 0 : i32
    %dma_wait3A_82 = tpu.memref_slice %arg13[%dma_wait3A_76, %dma_wait3A_81] : memref<3x128xi32, #tpu.memory_space<vmem>> -> memref<1x128xi32, #tpu.memory_space<vmem>>
    %dma_wait3A_83 = tpu.memref_squeeze %dma_wait3A_82 : memref<1x128xi32, #tpu.memory_space<vmem>> -> memref<128xi32, #tpu.memory_space<vmem>>
    %dma_wait3A_84 = tpu.memref_slice %arg3[%add3A_14] : memref<12288xi32, #tpu.memory_space<hbm>> -> memref<128xi32, #tpu.memory_space<hbm>>
    tpu.wait_dma2 semaphore(%arg20 : memref<!tpu.dma_semaphore, #tpu.memory_space<semaphore_mem>>) src(%dma_wait3A_84 : memref<128xi32, #tpu.memory_space<hbm>>) dst(%dma_wait3A_83 : memref<128xi32, #tpu.memory_space<vmem>>)
    %dma_wait3A_85 = arith.constant 1 : i32
    %dma_wait3A_86 = arith.constant 0 : i32
    %dma_wait3A_87 = tpu.memref_slice %arg12[%dma_wait3A_85, %dma_wait3A_86] : memref<3x128xi32, #tpu.memory_space<vmem>> -> memref<1x128xi32, #tpu.memory_space<vmem>>
    %dma_wait3A_88 = tpu.memref_squeeze %dma_wait3A_87 : memref<1x128xi32, #tpu.memory_space<vmem>> -> memref<128xi32, #tpu.memory_space<vmem>>
    %dma_wait3A_89 = tpu.memref_slice %arg2[%add3A_25] : memref<12288xi32, #tpu.memory_space<hbm>> -> memref<128xi32, #tpu.memory_space<hbm>>
    %dma_wait3A_90 = arith.constant 0 : i32
    %dma_wait3A_91 = tpu.memref_slice %arg12[%dma_wait3A_85, %dma_wait3A_90] : memref<3x128xi32, #tpu.memory_space<vmem>> -> memref<1x128xi32, #tpu.memory_space<vmem>>
    %dma_wait3A_92 = tpu.memref_squeeze %dma_wait3A_91 : memref<1x128xi32, #tpu.memory_space<vmem>> -> memref<128xi32, #tpu.memory_space<vmem>>
    %dma_wait3A_93 = tpu.memref_slice %arg2[%add3A_25] : memref<12288xi32, #tpu.memory_space<hbm>> -> memref<128xi32, #tpu.memory_space<hbm>>
    tpu.wait_dma2 semaphore(%arg19 : memref<!tpu.dma_semaphore, #tpu.memory_space<semaphore_mem>>) src(%dma_wait3A_93 : memref<128xi32, #tpu.memory_space<hbm>>) dst(%dma_wait3A_92 : memref<128xi32, #tpu.memory_space<vmem>>)
    %dma_wait3A_94 = arith.constant 1 : i32
    %dma_wait3A_95 = arith.constant 0 : i32
    %dma_wait3A_96 = tpu.memref_slice %arg13[%dma_wait3A_94, %dma_wait3A_95] : memref<3x128xi32, #tpu.memory_space<vmem>> -> memref<1x128xi32, #tpu.memory_space<vmem>>
    %dma_wait3A_97 = tpu.memref_squeeze %dma_wait3A_96 : memref<1x128xi32, #tpu.memory_space<vmem>> -> memref<128xi32, #tpu.memory_space<vmem>>
    %dma_wait3A_98 = tpu.memref_slice %arg3[%add3A_36] : memref<12288xi32, #tpu.memory_space<hbm>> -> memref<128xi32, #tpu.memory_space<hbm>>
    %dma_wait3A_99 = arith.constant 0 : i32
    %dma_wait3A_100 = tpu.memref_slice %arg13[%dma_wait3A_94, %dma_wait3A_99] : memref<3x128xi32, #tpu.memory_space<vmem>> -> memref<1x128xi32, #tpu.memory_space<vmem>>
    %dma_wait3A_101 = tpu.memref_squeeze %dma_wait3A_100 : memref<1x128xi32, #tpu.memory_space<vmem>> -> memref<128xi32, #tpu.memory_space<vmem>>
    %dma_wait3A_102 = tpu.memref_slice %arg3[%add3A_36] : memref<12288xi32, #tpu.memory_space<hbm>> -> memref<128xi32, #tpu.memory_space<hbm>>
    tpu.wait_dma2 semaphore(%arg20 : memref<!tpu.dma_semaphore, #tpu.memory_space<semaphore_mem>>) src(%dma_wait3A_102 : memref<128xi32, #tpu.memory_space<hbm>>) dst(%dma_wait3A_101 : memref<128xi32, #tpu.memory_space<vmem>>)
    %dma_wait3A_103 = arith.constant 2 : i32
    %dma_wait3A_104 = arith.constant 0 : i32
    %dma_wait3A_105 = tpu.memref_slice %arg12[%dma_wait3A_103, %dma_wait3A_104] : memref<3x128xi32, #tpu.memory_space<vmem>> -> memref<1x128xi32, #tpu.memory_space<vmem>>
    %dma_wait3A_106 = tpu.memref_squeeze %dma_wait3A_105 : memref<1x128xi32, #tpu.memory_space<vmem>> -> memref<128xi32, #tpu.memory_space<vmem>>
    %dma_wait3A_107 = tpu.memref_slice %arg2[%add3A_47] : memref<12288xi32, #tpu.memory_space<hbm>> -> memref<128xi32, #tpu.memory_space<hbm>>
    %dma_wait3A_108 = arith.constant 0 : i32
    %dma_wait3A_109 = tpu.memref_slice %arg12[%dma_wait3A_103, %dma_wait3A_108] : memref<3x128xi32, #tpu.memory_space<vmem>> -> memref<1x128xi32, #tpu.memory_space<vmem>>
    %dma_wait3A_110 = tpu.memref_squeeze %dma_wait3A_109 : memref<1x128xi32, #tpu.memory_space<vmem>> -> memref<128xi32, #tpu.memory_space<vmem>>
    %dma_wait3A_111 = tpu.memref_slice %arg2[%add3A_47] : memref<12288xi32, #tpu.memory_space<hbm>> -> memref<128xi32, #tpu.memory_space<hbm>>
    tpu.wait_dma2 semaphore(%arg19 : memref<!tpu.dma_semaphore, #tpu.memory_space<semaphore_mem>>) src(%dma_wait3A_111 : memref<128xi32, #tpu.memory_space<hbm>>) dst(%dma_wait3A_110 : memref<128xi32, #tpu.memory_space<vmem>>)
    %dma_wait3A_112 = arith.constant 2 : i32
    %dma_wait3A_113 = arith.constant 0 : i32
    %dma_wait3A_114 = tpu.memref_slice %arg13[%dma_wait3A_112, %dma_wait3A_113] : memref<3x128xi32, #tpu.memory_space<vmem>> -> memref<1x128xi32, #tpu.memory_space<vmem>>
    %dma_wait3A_115 = tpu.memref_squeeze %dma_wait3A_114 : memref<1x128xi32, #tpu.memory_space<vmem>> -> memref<128xi32, #tpu.memory_space<vmem>>
    %dma_wait3A_116 = tpu.memref_slice %arg3[%add3A_58] : memref<12288xi32, #tpu.memory_space<hbm>> -> memref<128xi32, #tpu.memory_space<hbm>>
    %dma_wait3A_117 = arith.constant 0 : i32
    %dma_wait3A_118 = tpu.memref_slice %arg13[%dma_wait3A_112, %dma_wait3A_117] : memref<3x128xi32, #tpu.memory_space<vmem>> -> memref<1x128xi32, #tpu.memory_space<vmem>>
    %dma_wait3A_119 = tpu.memref_squeeze %dma_wait3A_118 : memref<1x128xi32, #tpu.memory_space<vmem>> -> memref<128xi32, #tpu.memory_space<vmem>>
    %dma_wait3A_120 = tpu.memref_slice %arg3[%add3A_58] : memref<12288xi32, #tpu.memory_space<hbm>> -> memref<128xi32, #tpu.memory_space<hbm>>
    tpu.wait_dma2 semaphore(%arg20 : memref<!tpu.dma_semaphore, #tpu.memory_space<semaphore_mem>>) src(%dma_wait3A_120 : memref<128xi32, #tpu.memory_space<hbm>>) dst(%dma_wait3A_119 : memref<128xi32, #tpu.memory_space<vmem>>)
    %dma_start3A_121 = arith.constant 0 : i32
    %dma_start3A_122 = arith.constant 0 : i32
    %dma_start3A_123 = arith.constant 0 : i32
    %dma_start3A_124 = arith.constant 0 : i32
    %dma_start3A_125 = tpu.memref_slice %arg14[%dma_start3A_122, %dma_start3A_123, %dma_start3A_124] : memref<2x384x128xf32, #tpu.memory_space<vmem>> -> memref<1x128x128xf32, #tpu.memory_space<vmem>>
    %dma_start3A_126 = tpu.memref_squeeze %dma_start3A_125 : memref<1x128x128xf32, #tpu.memory_space<vmem>> -> memref<128x128xf32, #tpu.memory_space<vmem>>
    %dma_start3A_127 = arith.constant 0 : i32
    %dma_start3A_128 = tpu.memref_slice %arg12[%dma_start3A_121, %dma_start3A_127] : memref<3x128xi32, #tpu.memory_space<vmem>> -> memref<1x128xi32, #tpu.memory_space<vmem>>
    %dma_start3A_129 = tpu.memref_squeeze %dma_start3A_128 : memref<1x128xi32, #tpu.memory_space<vmem>> -> memref<128xi32, #tpu.memory_space<vmem>>
    %dma_start3A_130 = arith.constant 0 : i32
    %dma_start3A_131 = arith.constant 0 : i32
    %dma_start3A_132 = tpu.memref_slice %arg4[%dma_start3A_130, %dma_start3A_131] : memref<480190x128xf32, #tpu.memory_space<hbm>> -> memref<480190x128xf32, #tpu.memory_space<hbm>>
    tpu.enqueue_indirect_dma source(%dma_start3A_132 : memref<480190x128xf32, #tpu.memory_space<hbm>>) target(%dma_start3A_126 : memref<128x128xf32, #tpu.memory_space<vmem>>) offsets(%dma_start3A_129 : memref<128xi32, #tpu.memory_space<vmem>>) semaphore(%arg15 : memref<!tpu.dma_semaphore, #tpu.memory_space<semaphore_mem>>)
    %dma_start3A_133 = arith.constant 1 : i32
    %dma_start3A_134 = arith.constant 0 : i32
    %dma_start3A_135 = arith.constant 128 : i32
    %dma_start3A_136 = arith.constant 0 : i32
    %dma_start3A_137 = tpu.memref_slice %arg14[%dma_start3A_134, %dma_start3A_135, %dma_start3A_136] : memref<2x384x128xf32, #tpu.memory_space<vmem>> -> memref<1x128x128xf32, #tpu.memory_space<vmem>>
    %dma_start3A_138 = tpu.memref_squeeze %dma_start3A_137 : memref<1x128x128xf32, #tpu.memory_space<vmem>> -> memref<128x128xf32, #tpu.memory_space<vmem>>
    %dma_start3A_139 = arith.constant 0 : i32
    %dma_start3A_140 = tpu.memref_slice %arg12[%dma_start3A_133, %dma_start3A_139] : memref<3x128xi32, #tpu.memory_space<vmem>> -> memref<1x128xi32, #tpu.memory_space<vmem>>
    %dma_start3A_141 = tpu.memref_squeeze %dma_start3A_140 : memref<1x128xi32, #tpu.memory_space<vmem>> -> memref<128xi32, #tpu.memory_space<vmem>>
    %dma_start3A_142 = arith.constant 0 : i32
    %dma_start3A_143 = arith.constant 0 : i32
    %dma_start3A_144 = tpu.memref_slice %arg4[%dma_start3A_142, %dma_start3A_143] : memref<480190x128xf32, #tpu.memory_space<hbm>> -> memref<480190x128xf32, #tpu.memory_space<hbm>>
    tpu.enqueue_indirect_dma source(%dma_start3A_144 : memref<480190x128xf32, #tpu.memory_space<hbm>>) target(%dma_start3A_138 : memref<128x128xf32, #tpu.memory_space<vmem>>) offsets(%dma_start3A_141 : memref<128xi32, #tpu.memory_space<vmem>>) semaphore(%arg15 : memref<!tpu.dma_semaphore, #tpu.memory_space<semaphore_mem>>)
    %dma_start3A_145 = arith.constant 2 : i32
    %dma_start3A_146 = arith.constant 0 : i32
    %dma_start3A_147 = arith.constant 256 : i32
    %dma_start3A_148 = arith.constant 0 : i32
    %dma_start3A_149 = tpu.memref_slice %arg14[%dma_start3A_146, %dma_start3A_147, %dma_start3A_148] : memref<2x384x128xf32, #tpu.memory_space<vmem>> -> memref<1x128x128xf32, #tpu.memory_space<vmem>>
    %dma_start3A_150 = tpu.memref_squeeze %dma_start3A_149 : memref<1x128x128xf32, #tpu.memory_space<vmem>> -> memref<128x128xf32, #tpu.memory_space<vmem>>
    %dma_start3A_151 = arith.constant 0 : i32
    %dma_start3A_152 = tpu.memref_slice %arg12[%dma_start3A_145, %dma_start3A_151] : memref<3x128xi32, #tpu.memory_space<vmem>> -> memref<1x128xi32, #tpu.memory_space<vmem>>
    %dma_start3A_153 = tpu.memref_squeeze %dma_start3A_152 : memref<1x128xi32, #tpu.memory_space<vmem>> -> memref<128xi32, #tpu.memory_space<vmem>>
    %dma_start3A_154 = arith.constant 0 : i32
    %dma_start3A_155 = arith.constant 0 : i32
    %dma_start3A_156 = tpu.memref_slice %arg4[%dma_start3A_154, %dma_start3A_155] : memref<480190x128xf32, #tpu.memory_space<hbm>> -> memref<480190x128xf32, #tpu.memory_space<hbm>>
    tpu.enqueue_indirect_dma source(%dma_start3A_156 : memref<480190x128xf32, #tpu.memory_space<hbm>>) target(%dma_start3A_150 : memref<128x128xf32, #tpu.memory_space<vmem>>) offsets(%dma_start3A_153 : memref<128xi32, #tpu.memory_space<vmem>>) semaphore(%arg15 : memref<!tpu.dma_semaphore, #tpu.memory_space<semaphore_mem>>)
    %dma_start3A_157 = arith.constant 0 : i32
    %dma_start3A_158 = arith.constant 1 : i32
    %dma_start3A_159 = arith.constant 0 : i32
    %dma_start3A_160 = arith.constant 0 : i32
    %dma_start3A_161 = tpu.memref_slice %arg14[%dma_start3A_158, %dma_start3A_159, %dma_start3A_160] : memref<2x384x128xf32, #tpu.memory_space<vmem>> -> memref<1x128x128xf32, #tpu.memory_space<vmem>>
    %dma_start3A_162 = tpu.memref_squeeze %dma_start3A_161 : memref<1x128x128xf32, #tpu.memory_space<vmem>> -> memref<128x128xf32, #tpu.memory_space<vmem>>
    %dma_start3A_163 = arith.constant 0 : i32
    %dma_start3A_164 = tpu.memref_slice %arg13[%dma_start3A_157, %dma_start3A_163] : memref<3x128xi32, #tpu.memory_space<vmem>> -> memref<1x128xi32, #tpu.memory_space<vmem>>
    %dma_start3A_165 = tpu.memref_squeeze %dma_start3A_164 : memref<1x128xi32, #tpu.memory_space<vmem>> -> memref<128xi32, #tpu.memory_space<vmem>>
    %dma_start3A_166 = arith.constant 0 : i32
    %dma_start3A_167 = arith.constant 0 : i32
    %dma_start3A_168 = tpu.memref_slice %arg5[%dma_start3A_166, %dma_start3A_167] : memref<17771x128xf32, #tpu.memory_space<hbm>> -> memref<17771x128xf32, #tpu.memory_space<hbm>>
    tpu.enqueue_indirect_dma source(%dma_start3A_168 : memref<17771x128xf32, #tpu.memory_space<hbm>>) target(%dma_start3A_162 : memref<128x128xf32, #tpu.memory_space<vmem>>) offsets(%dma_start3A_165 : memref<128xi32, #tpu.memory_space<vmem>>) semaphore(%arg16 : memref<!tpu.dma_semaphore, #tpu.memory_space<semaphore_mem>>)
    %dma_start3A_169 = arith.constant 1 : i32
    %dma_start3A_170 = arith.constant 1 : i32
    %dma_start3A_171 = arith.constant 128 : i32
    %dma_start3A_172 = arith.constant 0 : i32
    %dma_start3A_173 = tpu.memref_slice %arg14[%dma_start3A_170, %dma_start3A_171, %dma_start3A_172] : memref<2x384x128xf32, #tpu.memory_space<vmem>> -> memref<1x128x128xf32, #tpu.memory_space<vmem>>
    %dma_start3A_174 = tpu.memref_squeeze %dma_start3A_173 : memref<1x128x128xf32, #tpu.memory_space<vmem>> -> memref<128x128xf32, #tpu.memory_space<vmem>>
    %dma_start3A_175 = arith.constant 0 : i32
    %dma_start3A_176 = tpu.memref_slice %arg13[%dma_start3A_169, %dma_start3A_175] : memref<3x128xi32, #tpu.memory_space<vmem>> -> memref<1x128xi32, #tpu.memory_space<vmem>>
    %dma_start3A_177 = tpu.memref_squeeze %dma_start3A_176 : memref<1x128xi32, #tpu.memory_space<vmem>> -> memref<128xi32, #tpu.memory_space<vmem>>
    %dma_start3A_178 = arith.constant 0 : i32
    %dma_start3A_179 = arith.constant 0 : i32
    %dma_start3A_180 = tpu.memref_slice %arg5[%dma_start3A_178, %dma_start3A_179] : memref<17771x128xf32, #tpu.memory_space<hbm>> -> memref<17771x128xf32, #tpu.memory_space<hbm>>
    tpu.enqueue_indirect_dma source(%dma_start3A_180 : memref<17771x128xf32, #tpu.memory_space<hbm>>) target(%dma_start3A_174 : memref<128x128xf32, #tpu.memory_space<vmem>>) offsets(%dma_start3A_177 : memref<128xi32, #tpu.memory_space<vmem>>) semaphore(%arg16 : memref<!tpu.dma_semaphore, #tpu.memory_space<semaphore_mem>>)
    %dma_start3A_181 = arith.constant 2 : i32
    %dma_start3A_182 = arith.constant 1 : i32
    %dma_start3A_183 = arith.constant 256 : i32
    %dma_start3A_184 = arith.constant 0 : i32
    %dma_start3A_185 = tpu.memref_slice %arg14[%dma_start3A_182, %dma_start3A_183, %dma_start3A_184] : memref<2x384x128xf32, #tpu.memory_space<vmem>> -> memref<1x128x128xf32, #tpu.memory_space<vmem>>
    %dma_start3A_186 = tpu.memref_squeeze %dma_start3A_185 : memref<1x128x128xf32, #tpu.memory_space<vmem>> -> memref<128x128xf32, #tpu.memory_space<vmem>>
    %dma_start3A_187 = arith.constant 0 : i32
    %dma_start3A_188 = tpu.memref_slice %arg13[%dma_start3A_181, %dma_start3A_187] : memref<3x128xi32, #tpu.memory_space<vmem>> -> memref<1x128xi32, #tpu.memory_space<vmem>>
    %dma_start3A_189 = tpu.memref_squeeze %dma_start3A_188 : memref<1x128xi32, #tpu.memory_space<vmem>> -> memref<128xi32, #tpu.memory_space<vmem>>
    %dma_start3A_190 = arith.constant 0 : i32
    %dma_start3A_191 = arith.constant 0 : i32
    %dma_start3A_192 = tpu.memref_slice %arg5[%dma_start3A_190, %dma_start3A_191] : memref<17771x128xf32, #tpu.memory_space<hbm>> -> memref<17771x128xf32, #tpu.memory_space<hbm>>
    tpu.enqueue_indirect_dma source(%dma_start3A_192 : memref<17771x128xf32, #tpu.memory_space<hbm>>) target(%dma_start3A_186 : memref<128x128xf32, #tpu.memory_space<vmem>>) offsets(%dma_start3A_189 : memref<128xi32, #tpu.memory_space<vmem>>) semaphore(%arg16 : memref<!tpu.dma_semaphore, #tpu.memory_space<semaphore_mem>>)
    %dma_wait3A_193 = arith.constant 0 : i32
    %dma_wait3A_194 = arith.constant 0 : i32
    %dma_wait3A_195 = arith.constant 0 : i32
    %dma_wait3A_196 = arith.constant 0 : i32
    %dma_wait3A_197 = tpu.memref_slice %arg14[%dma_wait3A_194, %dma_wait3A_195, %dma_wait3A_196] : memref<2x384x128xf32, #tpu.memory_space<vmem>> -> memref<1x128x128xf32, #tpu.memory_space<vmem>>
    %dma_wait3A_198 = tpu.memref_squeeze %dma_wait3A_197 : memref<1x128x128xf32, #tpu.memory_space<vmem>> -> memref<128x128xf32, #tpu.memory_space<vmem>>
    %dma_wait3A_199 = arith.constant 0 : i32
    %dma_wait3A_200 = tpu.memref_slice %arg12[%dma_wait3A_193, %dma_wait3A_199] : memref<3x128xi32, #tpu.memory_space<vmem>> -> memref<1x128xi32, #tpu.memory_space<vmem>>
    %dma_wait3A_201 = tpu.memref_squeeze %dma_wait3A_200 : memref<1x128xi32, #tpu.memory_space<vmem>> -> memref<128xi32, #tpu.memory_space<vmem>>
    %dma_wait3A_202 = arith.constant 0 : i32
    %dma_wait3A_203 = arith.constant 0 : i32
    %dma_wait3A_204 = tpu.memref_slice %arg4[%dma_wait3A_202, %dma_wait3A_203] : memref<480190x128xf32, #tpu.memory_space<hbm>> -> memref<480190x128xf32, #tpu.memory_space<hbm>>
    tpu.wait_indirect_dma semaphore(%arg15 : memref<!tpu.dma_semaphore, #tpu.memory_space<semaphore_mem>>) src(%dma_wait3A_204 : memref<480190x128xf32, #tpu.memory_space<hbm>>) dst(%dma_wait3A_198 : memref<128x128xf32, #tpu.memory_space<vmem>>)
    %dma_wait3A_205 = arith.constant 1 : i32
    %dma_wait3A_206 = arith.constant 0 : i32
    %dma_wait3A_207 = arith.constant 128 : i32
    %dma_wait3A_208 = arith.constant 0 : i32
    %dma_wait3A_209 = tpu.memref_slice %arg14[%dma_wait3A_206, %dma_wait3A_207, %dma_wait3A_208] : memref<2x384x128xf32, #tpu.memory_space<vmem>> -> memref<1x128x128xf32, #tpu.memory_space<vmem>>
    %dma_wait3A_210 = tpu.memref_squeeze %dma_wait3A_209 : memref<1x128x128xf32, #tpu.memory_space<vmem>> -> memref<128x128xf32, #tpu.memory_space<vmem>>
    %dma_wait3A_211 = arith.constant 0 : i32
    %dma_wait3A_212 = tpu.memref_slice %arg12[%dma_wait3A_205, %dma_wait3A_211] : memref<3x128xi32, #tpu.memory_space<vmem>> -> memref<1x128xi32, #tpu.memory_space<vmem>>
    %dma_wait3A_213 = tpu.memref_squeeze %dma_wait3A_212 : memref<1x128xi32, #tpu.memory_space<vmem>> -> memref<128xi32, #tpu.memory_space<vmem>>
    %dma_wait3A_214 = arith.constant 0 : i32
    %dma_wait3A_215 = arith.constant 0 : i32
    %dma_wait3A_216 = tpu.memref_slice %arg4[%dma_wait3A_214, %dma_wait3A_215] : memref<480190x128xf32, #tpu.memory_space<hbm>> -> memref<480190x128xf32, #tpu.memory_space<hbm>>
    tpu.wait_indirect_dma semaphore(%arg15 : memref<!tpu.dma_semaphore, #tpu.memory_space<semaphore_mem>>) src(%dma_wait3A_216 : memref<480190x128xf32, #tpu.memory_space<hbm>>) dst(%dma_wait3A_210 : memref<128x128xf32, #tpu.memory_space<vmem>>)
    %dma_wait3A_217 = arith.constant 2 : i32
    %dma_wait3A_218 = arith.constant 0 : i32
    %dma_wait3A_219 = arith.constant 256 : i32
    %dma_wait3A_220 = arith.constant 0 : i32
    %dma_wait3A_221 = tpu.memref_slice %arg14[%dma_wait3A_218, %dma_wait3A_219, %dma_wait3A_220] : memref<2x384x128xf32, #tpu.memory_space<vmem>> -> memref<1x128x128xf32, #tpu.memory_space<vmem>>
    %dma_wait3A_222 = tpu.memref_squeeze %dma_wait3A_221 : memref<1x128x128xf32, #tpu.memory_space<vmem>> -> memref<128x128xf32, #tpu.memory_space<vmem>>
    %dma_wait3A_223 = arith.constant 0 : i32
    %dma_wait3A_224 = tpu.memref_slice %arg12[%dma_wait3A_217, %dma_wait3A_223] : memref<3x128xi32, #tpu.memory_space<vmem>> -> memref<1x128xi32, #tpu.memory_space<vmem>>
    %dma_wait3A_225 = tpu.memref_squeeze %dma_wait3A_224 : memref<1x128xi32, #tpu.memory_space<vmem>> -> memref<128xi32, #tpu.memory_space<vmem>>
    %dma_wait3A_226 = arith.constant 0 : i32
    %dma_wait3A_227 = arith.constant 0 : i32
    %dma_wait3A_228 = tpu.memref_slice %arg4[%dma_wait3A_226, %dma_wait3A_227] : memref<480190x128xf32, #tpu.memory_space<hbm>> -> memref<480190x128xf32, #tpu.memory_space<hbm>>
    tpu.wait_indirect_dma semaphore(%arg15 : memref<!tpu.dma_semaphore, #tpu.memory_space<semaphore_mem>>) src(%dma_wait3A_228 : memref<480190x128xf32, #tpu.memory_space<hbm>>) dst(%dma_wait3A_222 : memref<128x128xf32, #tpu.memory_space<vmem>>)
    %dma_start3A_229 = arith.constant 0 : i32
    %dma_start3A_230 = arith.constant 0 : i32
    %dma_start3A_231 = arith.constant 0 : i32
    %dma_start3A_232 = tpu.memref_slice %arg14[%dma_start3A_229, %dma_start3A_230, %dma_start3A_231] : memref<2x384x128xf32, #tpu.memory_space<vmem>> -> memref<1x384x128xf32, #tpu.memory_space<vmem>>
    %dma_start3A_233 = tpu.memref_squeeze %dma_start3A_232 : memref<1x384x128xf32, #tpu.memory_space<vmem>> -> memref<384x128xf32, #tpu.memory_space<vmem>>
    %dma_start3A_234 = arith.constant 0 : i32
    %dma_start3A_235 = tpu.memref_slice %arg8[%mul3A_2, %dma_start3A_234] : memref<12288x128xf32, #tpu.memory_space<hbm>> -> memref<384x128xf32, #tpu.memory_space<hbm>>
    %dma_start3A_236 = arith.constant 0 : i32
    %dma_start3A_237 = tpu.memref_slice %arg8[%mul3A_2, %dma_start3A_236] : memref<12288x128xf32, #tpu.memory_space<hbm>> -> memref<384x128xf32, #tpu.memory_space<hbm>>
    %dma_start3A_238 = arith.constant 0 : i32
    %dma_start3A_239 = arith.constant 0 : i32
    %dma_start3A_240 = tpu.memref_slice %arg14[%dma_start3A_229, %dma_start3A_238, %dma_start3A_239] : memref<2x384x128xf32, #tpu.memory_space<vmem>> -> memref<1x384x128xf32, #tpu.memory_space<vmem>>
    %dma_start3A_241 = tpu.memref_squeeze %dma_start3A_240 : memref<1x384x128xf32, #tpu.memory_space<vmem>> -> memref<384x128xf32, #tpu.memory_space<vmem>>
    tpu.enqueue_dma source(%dma_start3A_241 : memref<384x128xf32, #tpu.memory_space<vmem>>) target(%dma_start3A_237 : memref<384x128xf32, #tpu.memory_space<hbm>>) target_semaphore(%arg17 : memref<!tpu.dma_semaphore, #tpu.memory_space<semaphore_mem>>)
    %dma_wait3A_242 = arith.constant 0 : i32
    %dma_wait3A_243 = arith.constant 0 : i32
    %dma_wait3A_244 = arith.constant 0 : i32
    %dma_wait3A_245 = tpu.memref_slice %arg14[%dma_wait3A_242, %dma_wait3A_243, %dma_wait3A_244] : memref<2x384x128xf32, #tpu.memory_space<vmem>> -> memref<1x384x128xf32, #tpu.memory_space<vmem>>
    %dma_wait3A_246 = tpu.memref_squeeze %dma_wait3A_245 : memref<1x384x128xf32, #tpu.memory_space<vmem>> -> memref<384x128xf32, #tpu.memory_space<vmem>>
    %dma_wait3A_247 = arith.constant 0 : i32
    %dma_wait3A_248 = tpu.memref_slice %arg8[%mul3A_2, %dma_wait3A_247] : memref<12288x128xf32, #tpu.memory_space<hbm>> -> memref<384x128xf32, #tpu.memory_space<hbm>>
    %dma_wait3A_249 = arith.constant 0 : i32
    %dma_wait3A_250 = tpu.memref_slice %arg8[%mul3A_2, %dma_wait3A_249] : memref<12288x128xf32, #tpu.memory_space<hbm>> -> memref<384x128xf32, #tpu.memory_space<hbm>>
    %dma_wait3A_251 = arith.constant 0 : i32
    %dma_wait3A_252 = arith.constant 0 : i32
    %dma_wait3A_253 = tpu.memref_slice %arg14[%dma_wait3A_242, %dma_wait3A_251, %dma_wait3A_252] : memref<2x384x128xf32, #tpu.memory_space<vmem>> -> memref<1x384x128xf32, #tpu.memory_space<vmem>>
    %dma_wait3A_254 = tpu.memref_squeeze %dma_wait3A_253 : memref<1x384x128xf32, #tpu.memory_space<vmem>> -> memref<384x128xf32, #tpu.memory_space<vmem>>
    tpu.wait_dma2 semaphore(%arg17 : memref<!tpu.dma_semaphore, #tpu.memory_space<semaphore_mem>>) src(%dma_wait3A_254 : memref<384x128xf32, #tpu.memory_space<vmem>>) dst(%dma_wait3A_250 : memref<384x128xf32, #tpu.memory_space<hbm>>)
    %dma_start3A_255 = arith.constant 0 : i32
    %dma_start3A_256 = arith.constant 0 : i32
    %dma_start3A_257 = arith.constant 0 : i32
    %dma_start3A_258 = arith.constant 0 : i32
    %dma_start3A_259 = tpu.memref_slice %arg14[%dma_start3A_256, %dma_start3A_257, %dma_start3A_258] : memref<2x384x128xf32, #tpu.memory_space<vmem>> -> memref<1x128x128xf32, #tpu.memory_space<vmem>>
    %dma_start3A_260 = tpu.memref_squeeze %dma_start3A_259 : memref<1x128x128xf32, #tpu.memory_space<vmem>> -> memref<128x128xf32, #tpu.memory_space<vmem>>
    %dma_start3A_261 = arith.constant 0 : i32
    %dma_start3A_262 = tpu.memref_slice %arg12[%dma_start3A_255, %dma_start3A_261] : memref<3x128xi32, #tpu.memory_space<vmem>> -> memref<1x128xi32, #tpu.memory_space<vmem>>
    %dma_start3A_263 = tpu.memref_squeeze %dma_start3A_262 : memref<1x128xi32, #tpu.memory_space<vmem>> -> memref<128xi32, #tpu.memory_space<vmem>>
    %dma_start3A_264 = arith.constant 0 : i32
    %dma_start3A_265 = arith.constant 0 : i32
    %dma_start3A_266 = tpu.memref_slice %arg6[%dma_start3A_264, %dma_start3A_265] : memref<480190x128xf32, #tpu.memory_space<hbm>> -> memref<480190x128xf32, #tpu.memory_space<hbm>>
    tpu.enqueue_indirect_dma source(%dma_start3A_266 : memref<480190x128xf32, #tpu.memory_space<hbm>>) target(%dma_start3A_260 : memref<128x128xf32, #tpu.memory_space<vmem>>) offsets(%dma_start3A_263 : memref<128xi32, #tpu.memory_space<vmem>>) semaphore(%arg15 : memref<!tpu.dma_semaphore, #tpu.memory_space<semaphore_mem>>)
    %dma_start3A_267 = arith.constant 1 : i32
    %dma_start3A_268 = arith.constant 0 : i32
    %dma_start3A_269 = arith.constant 128 : i32
    %dma_start3A_270 = arith.constant 0 : i32
    %dma_start3A_271 = tpu.memref_slice %arg14[%dma_start3A_268, %dma_start3A_269, %dma_start3A_270] : memref<2x384x128xf32, #tpu.memory_space<vmem>> -> memref<1x128x128xf32, #tpu.memory_space<vmem>>
    %dma_start3A_272 = tpu.memref_squeeze %dma_start3A_271 : memref<1x128x128xf32, #tpu.memory_space<vmem>> -> memref<128x128xf32, #tpu.memory_space<vmem>>
    %dma_start3A_273 = arith.constant 0 : i32
    %dma_start3A_274 = tpu.memref_slice %arg12[%dma_start3A_267, %dma_start3A_273] : memref<3x128xi32, #tpu.memory_space<vmem>> -> memref<1x128xi32, #tpu.memory_space<vmem>>
    %dma_start3A_275 = tpu.memref_squeeze %dma_start3A_274 : memref<1x128xi32, #tpu.memory_space<vmem>> -> memref<128xi32, #tpu.memory_space<vmem>>
    %dma_start3A_276 = arith.constant 0 : i32
    %dma_start3A_277 = arith.constant 0 : i32
    %dma_start3A_278 = tpu.memref_slice %arg6[%dma_start3A_276, %dma_start3A_277] : memref<480190x128xf32, #tpu.memory_space<hbm>> -> memref<480190x128xf32, #tpu.memory_space<hbm>>
    tpu.enqueue_indirect_dma source(%dma_start3A_278 : memref<480190x128xf32, #tpu.memory_space<hbm>>) target(%dma_start3A_272 : memref<128x128xf32, #tpu.memory_space<vmem>>) offsets(%dma_start3A_275 : memref<128xi32, #tpu.memory_space<vmem>>) semaphore(%arg15 : memref<!tpu.dma_semaphore, #tpu.memory_space<semaphore_mem>>)
    %dma_start3A_279 = arith.constant 2 : i32
    %dma_start3A_280 = arith.constant 0 : i32
    %dma_start3A_281 = arith.constant 256 : i32
    %dma_start3A_282 = arith.constant 0 : i32
    %dma_start3A_283 = tpu.memref_slice %arg14[%dma_start3A_280, %dma_start3A_281, %dma_start3A_282] : memref<2x384x128xf32, #tpu.memory_space<vmem>> -> memref<1x128x128xf32, #tpu.memory_space<vmem>>
    %dma_start3A_284 = tpu.memref_squeeze %dma_start3A_283 : memref<1x128x128xf32, #tpu.memory_space<vmem>> -> memref<128x128xf32, #tpu.memory_space<vmem>>
    %dma_start3A_285 = arith.constant 0 : i32
    %dma_start3A_286 = tpu.memref_slice %arg12[%dma_start3A_279, %dma_start3A_285] : memref<3x128xi32, #tpu.memory_space<vmem>> -> memref<1x128xi32, #tpu.memory_space<vmem>>
    %dma_start3A_287 = tpu.memref_squeeze %dma_start3A_286 : memref<1x128xi32, #tpu.memory_space<vmem>> -> memref<128xi32, #tpu.memory_space<vmem>>
    %dma_start3A_288 = arith.constant 0 : i32
    %dma_start3A_289 = arith.constant 0 : i32
    %dma_start3A_290 = tpu.memref_slice %arg6[%dma_start3A_288, %dma_start3A_289] : memref<480190x128xf32, #tpu.memory_space<hbm>> -> memref<480190x128xf32, #tpu.memory_space<hbm>>
    tpu.enqueue_indirect_dma source(%dma_start3A_290 : memref<480190x128xf32, #tpu.memory_space<hbm>>) target(%dma_start3A_284 : memref<128x128xf32, #tpu.memory_space<vmem>>) offsets(%dma_start3A_287 : memref<128xi32, #tpu.memory_space<vmem>>) semaphore(%arg15 : memref<!tpu.dma_semaphore, #tpu.memory_space<semaphore_mem>>)
    %dma_wait3A_291 = arith.constant 0 : i32
    %dma_wait3A_292 = arith.constant 1 : i32
    %dma_wait3A_293 = arith.constant 0 : i32
    %dma_wait3A_294 = arith.constant 0 : i32
    %dma_wait3A_295 = tpu.memref_slice %arg14[%dma_wait3A_292, %dma_wait3A_293, %dma_wait3A_294] : memref<2x384x128xf32, #tpu.memory_space<vmem>> -> memref<1x128x128xf32, #tpu.memory_space<vmem>>
    %dma_wait3A_296 = tpu.memref_squeeze %dma_wait3A_295 : memref<1x128x128xf32, #tpu.memory_space<vmem>> -> memref<128x128xf32, #tpu.memory_space<vmem>>
    %dma_wait3A_297 = arith.constant 0 : i32
    %dma_wait3A_298 = tpu.memref_slice %arg13[%dma_wait3A_291, %dma_wait3A_297] : memref<3x128xi32, #tpu.memory_space<vmem>> -> memref<1x128xi32, #tpu.memory_space<vmem>>
    %dma_wait3A_299 = tpu.memref_squeeze %dma_wait3A_298 : memref<1x128xi32, #tpu.memory_space<vmem>> -> memref<128xi32, #tpu.memory_space<vmem>>
    %dma_wait3A_300 = arith.constant 0 : i32
    %dma_wait3A_301 = arith.constant 0 : i32
    %dma_wait3A_302 = tpu.memref_slice %arg5[%dma_wait3A_300, %dma_wait3A_301] : memref<17771x128xf32, #tpu.memory_space<hbm>> -> memref<17771x128xf32, #tpu.memory_space<hbm>>
    tpu.wait_indirect_dma semaphore(%arg16 : memref<!tpu.dma_semaphore, #tpu.memory_space<semaphore_mem>>) src(%dma_wait3A_302 : memref<17771x128xf32, #tpu.memory_space<hbm>>) dst(%dma_wait3A_296 : memref<128x128xf32, #tpu.memory_space<vmem>>)
    %dma_wait3A_303 = arith.constant 1 : i32
    %dma_wait3A_304 = arith.constant 1 : i32
    %dma_wait3A_305 = arith.constant 128 : i32
    %dma_wait3A_306 = arith.constant 0 : i32
    %dma_wait3A_307 = tpu.memref_slice %arg14[%dma_wait3A_304, %dma_wait3A_305, %dma_wait3A_306] : memref<2x384x128xf32, #tpu.memory_space<vmem>> -> memref<1x128x128xf32, #tpu.memory_space<vmem>>
    %dma_wait3A_308 = tpu.memref_squeeze %dma_wait3A_307 : memref<1x128x128xf32, #tpu.memory_space<vmem>> -> memref<128x128xf32, #tpu.memory_space<vmem>>
    %dma_wait3A_309 = arith.constant 0 : i32
    %dma_wait3A_310 = tpu.memref_slice %arg13[%dma_wait3A_303, %dma_wait3A_309] : memref<3x128xi32, #tpu.memory_space<vmem>> -> memref<1x128xi32, #tpu.memory_space<vmem>>
    %dma_wait3A_311 = tpu.memref_squeeze %dma_wait3A_310 : memref<1x128xi32, #tpu.memory_space<vmem>> -> memref<128xi32, #tpu.memory_space<vmem>>
    %dma_wait3A_312 = arith.constant 0 : i32
    %dma_wait3A_313 = arith.constant 0 : i32
    %dma_wait3A_314 = tpu.memref_slice %arg5[%dma_wait3A_312, %dma_wait3A_313] : memref<17771x128xf32, #tpu.memory_space<hbm>> -> memref<17771x128xf32, #tpu.memory_space<hbm>>
    tpu.wait_indirect_dma semaphore(%arg16 : memref<!tpu.dma_semaphore, #tpu.memory_space<semaphore_mem>>) src(%dma_wait3A_314 : memref<17771x128xf32, #tpu.memory_space<hbm>>) dst(%dma_wait3A_308 : memref<128x128xf32, #tpu.memory_space<vmem>>)
    %dma_wait3A_315 = arith.constant 2 : i32
    %dma_wait3A_316 = arith.constant 1 : i32
    %dma_wait3A_317 = arith.constant 256 : i32
    %dma_wait3A_318 = arith.constant 0 : i32
    %dma_wait3A_319 = tpu.memref_slice %arg14[%dma_wait3A_316, %dma_wait3A_317, %dma_wait3A_318] : memref<2x384x128xf32, #tpu.memory_space<vmem>> -> memref<1x128x128xf32, #tpu.memory_space<vmem>>
    %dma_wait3A_320 = tpu.memref_squeeze %dma_wait3A_319 : memref<1x128x128xf32, #tpu.memory_space<vmem>> -> memref<128x128xf32, #tpu.memory_space<vmem>>
    %dma_wait3A_321 = arith.constant 0 : i32
    %dma_wait3A_322 = tpu.memref_slice %arg13[%dma_wait3A_315, %dma_wait3A_321] : memref<3x128xi32, #tpu.memory_space<vmem>> -> memref<1x128xi32, #tpu.memory_space<vmem>>
    %dma_wait3A_323 = tpu.memref_squeeze %dma_wait3A_322 : memref<1x128xi32, #tpu.memory_space<vmem>> -> memref<128xi32, #tpu.memory_space<vmem>>
    %dma_wait3A_324 = arith.constant 0 : i32
    %dma_wait3A_325 = arith.constant 0 : i32
    %dma_wait3A_326 = tpu.memref_slice %arg5[%dma_wait3A_324, %dma_wait3A_325] : memref<17771x128xf32, #tpu.memory_space<hbm>> -> memref<17771x128xf32, #tpu.memory_space<hbm>>
    tpu.wait_indirect_dma semaphore(%arg16 : memref<!tpu.dma_semaphore, #tpu.memory_space<semaphore_mem>>) src(%dma_wait3A_326 : memref<17771x128xf32, #tpu.memory_space<hbm>>) dst(%dma_wait3A_320 : memref<128x128xf32, #tpu.memory_space<vmem>>)
    %dma_start3A_327 = arith.constant 1 : i32
    %dma_start3A_328 = arith.constant 0 : i32
    %dma_start3A_329 = arith.constant 0 : i32
    %dma_start3A_330 = tpu.memref_slice %arg14[%dma_start3A_327, %dma_start3A_328, %dma_start3A_329] : memref<2x384x128xf32, #tpu.memory_space<vmem>> -> memref<1x384x128xf32, #tpu.memory_space<vmem>>
    %dma_start3A_331 = tpu.memref_squeeze %dma_start3A_330 : memref<1x384x128xf32, #tpu.memory_space<vmem>> -> memref<384x128xf32, #tpu.memory_space<vmem>>
    %dma_start3A_332 = arith.constant 0 : i32
    %dma_start3A_333 = tpu.memref_slice %arg9[%mul3A_2, %dma_start3A_332] : memref<12288x128xf32, #tpu.memory_space<hbm>> -> memref<384x128xf32, #tpu.memory_space<hbm>>
    %dma_start3A_334 = arith.constant 0 : i32
    %dma_start3A_335 = tpu.memref_slice %arg9[%mul3A_2, %dma_start3A_334] : memref<12288x128xf32, #tpu.memory_space<hbm>> -> memref<384x128xf32, #tpu.memory_space<hbm>>
    %dma_start3A_336 = arith.constant 0 : i32
    %dma_start3A_337 = arith.constant 0 : i32
    %dma_start3A_338 = tpu.memref_slice %arg14[%dma_start3A_327, %dma_start3A_336, %dma_start3A_337] : memref<2x384x128xf32, #tpu.memory_space<vmem>> -> memref<1x384x128xf32, #tpu.memory_space<vmem>>
    %dma_start3A_339 = tpu.memref_squeeze %dma_start3A_338 : memref<1x384x128xf32, #tpu.memory_space<vmem>> -> memref<384x128xf32, #tpu.memory_space<vmem>>
    tpu.enqueue_dma source(%dma_start3A_339 : memref<384x128xf32, #tpu.memory_space<vmem>>) target(%dma_start3A_335 : memref<384x128xf32, #tpu.memory_space<hbm>>) target_semaphore(%arg18 : memref<!tpu.dma_semaphore, #tpu.memory_space<semaphore_mem>>)
    %dma_wait3A_340 = arith.constant 1 : i32
    %dma_wait3A_341 = arith.constant 0 : i32
    %dma_wait3A_342 = arith.constant 0 : i32
    %dma_wait3A_343 = tpu.memref_slice %arg14[%dma_wait3A_340, %dma_wait3A_341, %dma_wait3A_342] : memref<2x384x128xf32, #tpu.memory_space<vmem>> -> memref<1x384x128xf32, #tpu.memory_space<vmem>>
    %dma_wait3A_344 = tpu.memref_squeeze %dma_wait3A_343 : memref<1x384x128xf32, #tpu.memory_space<vmem>> -> memref<384x128xf32, #tpu.memory_space<vmem>>
    %dma_wait3A_345 = arith.constant 0 : i32
    %dma_wait3A_346 = tpu.memref_slice %arg9[%mul3A_2, %dma_wait3A_345] : memref<12288x128xf32, #tpu.memory_space<hbm>> -> memref<384x128xf32, #tpu.memory_space<hbm>>
    %dma_wait3A_347 = arith.constant 0 : i32
    %dma_wait3A_348 = tpu.memref_slice %arg9[%mul3A_2, %dma_wait3A_347] : memref<12288x128xf32, #tpu.memory_space<hbm>> -> memref<384x128xf32, #tpu.memory_space<hbm>>
    %dma_wait3A_349 = arith.constant 0 : i32
    %dma_wait3A_350 = arith.constant 0 : i32
    %dma_wait3A_351 = tpu.memref_slice %arg14[%dma_wait3A_340, %dma_wait3A_349, %dma_wait3A_350] : memref<2x384x128xf32, #tpu.memory_space<vmem>> -> memref<1x384x128xf32, #tpu.memory_space<vmem>>
    %dma_wait3A_352 = tpu.memref_squeeze %dma_wait3A_351 : memref<1x384x128xf32, #tpu.memory_space<vmem>> -> memref<384x128xf32, #tpu.memory_space<vmem>>
    tpu.wait_dma2 semaphore(%arg18 : memref<!tpu.dma_semaphore, #tpu.memory_space<semaphore_mem>>) src(%dma_wait3A_352 : memref<384x128xf32, #tpu.memory_space<vmem>>) dst(%dma_wait3A_348 : memref<384x128xf32, #tpu.memory_space<hbm>>)
    %dma_start3A_353 = arith.constant 0 : i32
    %dma_start3A_354 = arith.constant 1 : i32
    %dma_start3A_355 = arith.constant 0 : i32
    %dma_start3A_356 = arith.constant 0 : i32
    %dma_start3A_357 = tpu.memref_slice %arg14[%dma_start3A_354, %dma_start3A_355, %dma_start3A_356] : memref<2x384x128xf32, #tpu.memory_space<vmem>> -> memref<1x128x128xf32, #tpu.memory_space<vmem>>
    %dma_start3A_358 = tpu.memref_squeeze %dma_start3A_357 : memref<1x128x128xf32, #tpu.memory_space<vmem>> -> memref<128x128xf32, #tpu.memory_space<vmem>>
    %dma_start3A_359 = arith.constant 0 : i32
    %dma_start3A_360 = tpu.memref_slice %arg13[%dma_start3A_353, %dma_start3A_359] : memref<3x128xi32, #tpu.memory_space<vmem>> -> memref<1x128xi32, #tpu.memory_space<vmem>>
    %dma_start3A_361 = tpu.memref_squeeze %dma_start3A_360 : memref<1x128xi32, #tpu.memory_space<vmem>> -> memref<128xi32, #tpu.memory_space<vmem>>
    %dma_start3A_362 = arith.constant 0 : i32
    %dma_start3A_363 = arith.constant 0 : i32
    %dma_start3A_364 = tpu.memref_slice %arg7[%dma_start3A_362, %dma_start3A_363] : memref<17771x128xf32, #tpu.memory_space<hbm>> -> memref<17771x128xf32, #tpu.memory_space<hbm>>
    tpu.enqueue_indirect_dma source(%dma_start3A_364 : memref<17771x128xf32, #tpu.memory_space<hbm>>) target(%dma_start3A_358 : memref<128x128xf32, #tpu.memory_space<vmem>>) offsets(%dma_start3A_361 : memref<128xi32, #tpu.memory_space<vmem>>) semaphore(%arg16 : memref<!tpu.dma_semaphore, #tpu.memory_space<semaphore_mem>>)
    %dma_start3A_365 = arith.constant 1 : i32
    %dma_start3A_366 = arith.constant 1 : i32
    %dma_start3A_367 = arith.constant 128 : i32
    %dma_start3A_368 = arith.constant 0 : i32
    %dma_start3A_369 = tpu.memref_slice %arg14[%dma_start3A_366, %dma_start3A_367, %dma_start3A_368] : memref<2x384x128xf32, #tpu.memory_space<vmem>> -> memref<1x128x128xf32, #tpu.memory_space<vmem>>
    %dma_start3A_370 = tpu.memref_squeeze %dma_start3A_369 : memref<1x128x128xf32, #tpu.memory_space<vmem>> -> memref<128x128xf32, #tpu.memory_space<vmem>>
    %dma_start3A_371 = arith.constant 0 : i32
    %dma_start3A_372 = tpu.memref_slice %arg13[%dma_start3A_365, %dma_start3A_371] : memref<3x128xi32, #tpu.memory_space<vmem>> -> memref<1x128xi32, #tpu.memory_space<vmem>>
    %dma_start3A_373 = tpu.memref_squeeze %dma_start3A_372 : memref<1x128xi32, #tpu.memory_space<vmem>> -> memref<128xi32, #tpu.memory_space<vmem>>
    %dma_start3A_374 = arith.constant 0 : i32
    %dma_start3A_375 = arith.constant 0 : i32
    %dma_start3A_376 = tpu.memref_slice %arg7[%dma_start3A_374, %dma_start3A_375] : memref<17771x128xf32, #tpu.memory_space<hbm>> -> memref<17771x128xf32, #tpu.memory_space<hbm>>
    tpu.enqueue_indirect_dma source(%dma_start3A_376 : memref<17771x128xf32, #tpu.memory_space<hbm>>) target(%dma_start3A_370 : memref<128x128xf32, #tpu.memory_space<vmem>>) offsets(%dma_start3A_373 : memref<128xi32, #tpu.memory_space<vmem>>) semaphore(%arg16 : memref<!tpu.dma_semaphore, #tpu.memory_space<semaphore_mem>>)
    %dma_start3A_377 = arith.constant 2 : i32
    %dma_start3A_378 = arith.constant 1 : i32
    %dma_start3A_379 = arith.constant 256 : i32
    %dma_start3A_380 = arith.constant 0 : i32
    %dma_start3A_381 = tpu.memref_slice %arg14[%dma_start3A_378, %dma_start3A_379, %dma_start3A_380] : memref<2x384x128xf32, #tpu.memory_space<vmem>> -> memref<1x128x128xf32, #tpu.memory_space<vmem>>
    %dma_start3A_382 = tpu.memref_squeeze %dma_start3A_381 : memref<1x128x128xf32, #tpu.memory_space<vmem>> -> memref<128x128xf32, #tpu.memory_space<vmem>>
    %dma_start3A_383 = arith.constant 0 : i32
    %dma_start3A_384 = tpu.memref_slice %arg13[%dma_start3A_377, %dma_start3A_383] : memref<3x128xi32, #tpu.memory_space<vmem>> -> memref<1x128xi32, #tpu.memory_space<vmem>>
    %dma_start3A_385 = tpu.memref_squeeze %dma_start3A_384 : memref<1x128xi32, #tpu.memory_space<vmem>> -> memref<128xi32, #tpu.memory_space<vmem>>
    %dma_start3A_386 = arith.constant 0 : i32
    %dma_start3A_387 = arith.constant 0 : i32
    %dma_start3A_388 = tpu.memref_slice %arg7[%dma_start3A_386, %dma_start3A_387] : memref<17771x128xf32, #tpu.memory_space<hbm>> -> memref<17771x128xf32, #tpu.memory_space<hbm>>
    tpu.enqueue_indirect_dma source(%dma_start3A_388 : memref<17771x128xf32, #tpu.memory_space<hbm>>) target(%dma_start3A_382 : memref<128x128xf32, #tpu.memory_space<vmem>>) offsets(%dma_start3A_385 : memref<128xi32, #tpu.memory_space<vmem>>) semaphore(%arg16 : memref<!tpu.dma_semaphore, #tpu.memory_space<semaphore_mem>>)
    %dma_wait3A_389 = arith.constant 0 : i32
    %dma_wait3A_390 = arith.constant 0 : i32
    %dma_wait3A_391 = arith.constant 0 : i32
    %dma_wait3A_392 = arith.constant 0 : i32
    %dma_wait3A_393 = tpu.memref_slice %arg14[%dma_wait3A_390, %dma_wait3A_391, %dma_wait3A_392] : memref<2x384x128xf32, #tpu.memory_space<vmem>> -> memref<1x128x128xf32, #tpu.memory_space<vmem>>
    %dma_wait3A_394 = tpu.memref_squeeze %dma_wait3A_393 : memref<1x128x128xf32, #tpu.memory_space<vmem>> -> memref<128x128xf32, #tpu.memory_space<vmem>>
    %dma_wait3A_395 = arith.constant 0 : i32
    %dma_wait3A_396 = tpu.memref_slice %arg12[%dma_wait3A_389, %dma_wait3A_395] : memref<3x128xi32, #tpu.memory_space<vmem>> -> memref<1x128xi32, #tpu.memory_space<vmem>>
    %dma_wait3A_397 = tpu.memref_squeeze %dma_wait3A_396 : memref<1x128xi32, #tpu.memory_space<vmem>> -> memref<128xi32, #tpu.memory_space<vmem>>
    %dma_wait3A_398 = arith.constant 0 : i32
    %dma_wait3A_399 = arith.constant 0 : i32
    %dma_wait3A_400 = tpu.memref_slice %arg6[%dma_wait3A_398, %dma_wait3A_399] : memref<480190x128xf32, #tpu.memory_space<hbm>> -> memref<480190x128xf32, #tpu.memory_space<hbm>>
    tpu.wait_indirect_dma semaphore(%arg15 : memref<!tpu.dma_semaphore, #tpu.memory_space<semaphore_mem>>) src(%dma_wait3A_400 : memref<480190x128xf32, #tpu.memory_space<hbm>>) dst(%dma_wait3A_394 : memref<128x128xf32, #tpu.memory_space<vmem>>)
    %dma_wait3A_401 = arith.constant 1 : i32
    %dma_wait3A_402 = arith.constant 0 : i32
    %dma_wait3A_403 = arith.constant 128 : i32
    %dma_wait3A_404 = arith.constant 0 : i32
    %dma_wait3A_405 = tpu.memref_slice %arg14[%dma_wait3A_402, %dma_wait3A_403, %dma_wait3A_404] : memref<2x384x128xf32, #tpu.memory_space<vmem>> -> memref<1x128x128xf32, #tpu.memory_space<vmem>>
    %dma_wait3A_406 = tpu.memref_squeeze %dma_wait3A_405 : memref<1x128x128xf32, #tpu.memory_space<vmem>> -> memref<128x128xf32, #tpu.memory_space<vmem>>
    %dma_wait3A_407 = arith.constant 0 : i32
    %dma_wait3A_408 = tpu.memref_slice %arg12[%dma_wait3A_401, %dma_wait3A_407] : memref<3x128xi32, #tpu.memory_space<vmem>> -> memref<1x128xi32, #tpu.memory_space<vmem>>
    %dma_wait3A_409 = tpu.memref_squeeze %dma_wait3A_408 : memref<1x128xi32, #tpu.memory_space<vmem>> -> memref<128xi32, #tpu.memory_space<vmem>>
    %dma_wait3A_410 = arith.constant 0 : i32
    %dma_wait3A_411 = arith.constant 0 : i32
    %dma_wait3A_412 = tpu.memref_slice %arg6[%dma_wait3A_410, %dma_wait3A_411] : memref<480190x128xf32, #tpu.memory_space<hbm>> -> memref<480190x128xf32, #tpu.memory_space<hbm>>
    tpu.wait_indirect_dma semaphore(%arg15 : memref<!tpu.dma_semaphore, #tpu.memory_space<semaphore_mem>>) src(%dma_wait3A_412 : memref<480190x128xf32, #tpu.memory_space<hbm>>) dst(%dma_wait3A_406 : memref<128x128xf32, #tpu.memory_space<vmem>>)
    %dma_wait3A_413 = arith.constant 2 : i32
    %dma_wait3A_414 = arith.constant 0 : i32
    %dma_wait3A_415 = arith.constant 256 : i32
    %dma_wait3A_416 = arith.constant 0 : i32
    %dma_wait3A_417 = tpu.memref_slice %arg14[%dma_wait3A_414, %dma_wait3A_415, %dma_wait3A_416] : memref<2x384x128xf32, #tpu.memory_space<vmem>> -> memref<1x128x128xf32, #tpu.memory_space<vmem>>
    %dma_wait3A_418 = tpu.memref_squeeze %dma_wait3A_417 : memref<1x128x128xf32, #tpu.memory_space<vmem>> -> memref<128x128xf32, #tpu.memory_space<vmem>>
    %dma_wait3A_419 = arith.constant 0 : i32
    %dma_wait3A_420 = tpu.memref_slice %arg12[%dma_wait3A_413, %dma_wait3A_419] : memref<3x128xi32, #tpu.memory_space<vmem>> -> memref<1x128xi32, #tpu.memory_space<vmem>>
    %dma_wait3A_421 = tpu.memref_squeeze %dma_wait3A_420 : memref<1x128xi32, #tpu.memory_space<vmem>> -> memref<128xi32, #tpu.memory_space<vmem>>
    %dma_wait3A_422 = arith.constant 0 : i32
    %dma_wait3A_423 = arith.constant 0 : i32
    %dma_wait3A_424 = tpu.memref_slice %arg6[%dma_wait3A_422, %dma_wait3A_423] : memref<480190x128xf32, #tpu.memory_space<hbm>> -> memref<480190x128xf32, #tpu.memory_space<hbm>>
    tpu.wait_indirect_dma semaphore(%arg15 : memref<!tpu.dma_semaphore, #tpu.memory_space<semaphore_mem>>) src(%dma_wait3A_424 : memref<480190x128xf32, #tpu.memory_space<hbm>>) dst(%dma_wait3A_418 : memref<128x128xf32, #tpu.memory_space<vmem>>)
    %dma_start3A_425 = arith.constant 0 : i32
    %dma_start3A_426 = arith.constant 0 : i32
    %dma_start3A_427 = arith.constant 0 : i32
    %dma_start3A_428 = tpu.memref_slice %arg14[%dma_start3A_425, %dma_start3A_426, %dma_start3A_427] : memref<2x384x128xf32, #tpu.memory_space<vmem>> -> memref<1x384x128xf32, #tpu.memory_space<vmem>>
    %dma_start3A_429 = tpu.memref_squeeze %dma_start3A_428 : memref<1x384x128xf32, #tpu.memory_space<vmem>> -> memref<384x128xf32, #tpu.memory_space<vmem>>
    %dma_start3A_430 = arith.constant 0 : i32
    %dma_start3A_431 = tpu.memref_slice %arg10[%mul3A_2, %dma_start3A_430] : memref<12288x128xf32, #tpu.memory_space<hbm>> -> memref<384x128xf32, #tpu.memory_space<hbm>>
    %dma_start3A_432 = arith.constant 0 : i32
    %dma_start3A_433 = tpu.memref_slice %arg10[%mul3A_2, %dma_start3A_432] : memref<12288x128xf32, #tpu.memory_space<hbm>> -> memref<384x128xf32, #tpu.memory_space<hbm>>
    %dma_start3A_434 = arith.constant 0 : i32
    %dma_start3A_435 = arith.constant 0 : i32
    %dma_start3A_436 = tpu.memref_slice %arg14[%dma_start3A_425, %dma_start3A_434, %dma_start3A_435] : memref<2x384x128xf32, #tpu.memory_space<vmem>> -> memref<1x384x128xf32, #tpu.memory_space<vmem>>
    %dma_start3A_437 = tpu.memref_squeeze %dma_start3A_436 : memref<1x384x128xf32, #tpu.memory_space<vmem>> -> memref<384x128xf32, #tpu.memory_space<vmem>>
    tpu.enqueue_dma source(%dma_start3A_437 : memref<384x128xf32, #tpu.memory_space<vmem>>) target(%dma_start3A_433 : memref<384x128xf32, #tpu.memory_space<hbm>>) target_semaphore(%arg17 : memref<!tpu.dma_semaphore, #tpu.memory_space<semaphore_mem>>)
    %dma_wait3A_438 = arith.constant 0 : i32
    %dma_wait3A_439 = arith.constant 1 : i32
    %dma_wait3A_440 = arith.constant 0 : i32
    %dma_wait3A_441 = arith.constant 0 : i32
    %dma_wait3A_442 = tpu.memref_slice %arg14[%dma_wait3A_439, %dma_wait3A_440, %dma_wait3A_441] : memref<2x384x128xf32, #tpu.memory_space<vmem>> -> memref<1x128x128xf32, #tpu.memory_space<vmem>>
    %dma_wait3A_443 = tpu.memref_squeeze %dma_wait3A_442 : memref<1x128x128xf32, #tpu.memory_space<vmem>> -> memref<128x128xf32, #tpu.memory_space<vmem>>
    %dma_wait3A_444 = arith.constant 0 : i32
    %dma_wait3A_445 = tpu.memref_slice %arg13[%dma_wait3A_438, %dma_wait3A_444] : memref<3x128xi32, #tpu.memory_space<vmem>> -> memref<1x128xi32, #tpu.memory_space<vmem>>
    %dma_wait3A_446 = tpu.memref_squeeze %dma_wait3A_445 : memref<1x128xi32, #tpu.memory_space<vmem>> -> memref<128xi32, #tpu.memory_space<vmem>>
    %dma_wait3A_447 = arith.constant 0 : i32
    %dma_wait3A_448 = arith.constant 0 : i32
    %dma_wait3A_449 = tpu.memref_slice %arg7[%dma_wait3A_447, %dma_wait3A_448] : memref<17771x128xf32, #tpu.memory_space<hbm>> -> memref<17771x128xf32, #tpu.memory_space<hbm>>
    tpu.wait_indirect_dma semaphore(%arg16 : memref<!tpu.dma_semaphore, #tpu.memory_space<semaphore_mem>>) src(%dma_wait3A_449 : memref<17771x128xf32, #tpu.memory_space<hbm>>) dst(%dma_wait3A_443 : memref<128x128xf32, #tpu.memory_space<vmem>>)
    %dma_wait3A_450 = arith.constant 1 : i32
    %dma_wait3A_451 = arith.constant 1 : i32
    %dma_wait3A_452 = arith.constant 128 : i32
    %dma_wait3A_453 = arith.constant 0 : i32
    %dma_wait3A_454 = tpu.memref_slice %arg14[%dma_wait3A_451, %dma_wait3A_452, %dma_wait3A_453] : memref<2x384x128xf32, #tpu.memory_space<vmem>> -> memref<1x128x128xf32, #tpu.memory_space<vmem>>
    %dma_wait3A_455 = tpu.memref_squeeze %dma_wait3A_454 : memref<1x128x128xf32, #tpu.memory_space<vmem>> -> memref<128x128xf32, #tpu.memory_space<vmem>>
    %dma_wait3A_456 = arith.constant 0 : i32
    %dma_wait3A_457 = tpu.memref_slice %arg13[%dma_wait3A_450, %dma_wait3A_456] : memref<3x128xi32, #tpu.memory_space<vmem>> -> memref<1x128xi32, #tpu.memory_space<vmem>>
    %dma_wait3A_458 = tpu.memref_squeeze %dma_wait3A_457 : memref<1x128xi32, #tpu.memory_space<vmem>> -> memref<128xi32, #tpu.memory_space<vmem>>
    %dma_wait3A_459 = arith.constant 0 : i32
    %dma_wait3A_460 = arith.constant 0 : i32
    %dma_wait3A_461 = tpu.memref_slice %arg7[%dma_wait3A_459, %dma_wait3A_460] : memref<17771x128xf32, #tpu.memory_space<hbm>> -> memref<17771x128xf32, #tpu.memory_space<hbm>>
    tpu.wait_indirect_dma semaphore(%arg16 : memref<!tpu.dma_semaphore, #tpu.memory_space<semaphore_mem>>) src(%dma_wait3A_461 : memref<17771x128xf32, #tpu.memory_space<hbm>>) dst(%dma_wait3A_455 : memref<128x128xf32, #tpu.memory_space<vmem>>)
    %dma_wait3A_462 = arith.constant 2 : i32
    %dma_wait3A_463 = arith.constant 1 : i32
    %dma_wait3A_464 = arith.constant 256 : i32
    %dma_wait3A_465 = arith.constant 0 : i32
    %dma_wait3A_466 = tpu.memref_slice %arg14[%dma_wait3A_463, %dma_wait3A_464, %dma_wait3A_465] : memref<2x384x128xf32, #tpu.memory_space<vmem>> -> memref<1x128x128xf32, #tpu.memory_space<vmem>>
    %dma_wait3A_467 = tpu.memref_squeeze %dma_wait3A_466 : memref<1x128x128xf32, #tpu.memory_space<vmem>> -> memref<128x128xf32, #tpu.memory_space<vmem>>
    %dma_wait3A_468 = arith.constant 0 : i32
    %dma_wait3A_469 = tpu.memref_slice %arg13[%dma_wait3A_462, %dma_wait3A_468] : memref<3x128xi32, #tpu.memory_space<vmem>> -> memref<1x128xi32, #tpu.memory_space<vmem>>
    %dma_wait3A_470 = tpu.memref_squeeze %dma_wait3A_469 : memref<1x128xi32, #tpu.memory_space<vmem>> -> memref<128xi32, #tpu.memory_space<vmem>>
    %dma_wait3A_471 = arith.constant 0 : i32
    %dma_wait3A_472 = arith.constant 0 : i32
    %dma_wait3A_473 = tpu.memref_slice %arg7[%dma_wait3A_471, %dma_wait3A_472] : memref<17771x128xf32, #tpu.memory_space<hbm>> -> memref<17771x128xf32, #tpu.memory_space<hbm>>
    tpu.wait_indirect_dma semaphore(%arg16 : memref<!tpu.dma_semaphore, #tpu.memory_space<semaphore_mem>>) src(%dma_wait3A_473 : memref<17771x128xf32, #tpu.memory_space<hbm>>) dst(%dma_wait3A_467 : memref<128x128xf32, #tpu.memory_space<vmem>>)
    %dma_start3A_474 = arith.constant 1 : i32
    %dma_start3A_475 = arith.constant 0 : i32
    %dma_start3A_476 = arith.constant 0 : i32
    %dma_start3A_477 = tpu.memref_slice %arg14[%dma_start3A_474, %dma_start3A_475, %dma_start3A_476] : memref<2x384x128xf32, #tpu.memory_space<vmem>> -> memref<1x384x128xf32, #tpu.memory_space<vmem>>
    %dma_start3A_478 = tpu.memref_squeeze %dma_start3A_477 : memref<1x384x128xf32, #tpu.memory_space<vmem>> -> memref<384x128xf32, #tpu.memory_space<vmem>>
    %dma_start3A_479 = arith.constant 0 : i32
    %dma_start3A_480 = tpu.memref_slice %arg11[%mul3A_2, %dma_start3A_479] : memref<12288x128xf32, #tpu.memory_space<hbm>> -> memref<384x128xf32, #tpu.memory_space<hbm>>
    %dma_start3A_481 = arith.constant 0 : i32
    %dma_start3A_482 = tpu.memref_slice %arg11[%mul3A_2, %dma_start3A_481] : memref<12288x128xf32, #tpu.memory_space<hbm>> -> memref<384x128xf32, #tpu.memory_space<hbm>>
    %dma_start3A_483 = arith.constant 0 : i32
    %dma_start3A_484 = arith.constant 0 : i32
    %dma_start3A_485 = tpu.memref_slice %arg14[%dma_start3A_474, %dma_start3A_483, %dma_start3A_484] : memref<2x384x128xf32, #tpu.memory_space<vmem>> -> memref<1x384x128xf32, #tpu.memory_space<vmem>>
    %dma_start3A_486 = tpu.memref_squeeze %dma_start3A_485 : memref<1x384x128xf32, #tpu.memory_space<vmem>> -> memref<384x128xf32, #tpu.memory_space<vmem>>
    tpu.enqueue_dma source(%dma_start3A_486 : memref<384x128xf32, #tpu.memory_space<vmem>>) target(%dma_start3A_482 : memref<384x128xf32, #tpu.memory_space<hbm>>) target_semaphore(%arg18 : memref<!tpu.dma_semaphore, #tpu.memory_space<semaphore_mem>>)
    %dma_wait3A_487 = arith.constant 0 : i32
    %dma_wait3A_488 = arith.constant 0 : i32
    %dma_wait3A_489 = arith.constant 0 : i32
    %dma_wait3A_490 = tpu.memref_slice %arg14[%dma_wait3A_487, %dma_wait3A_488, %dma_wait3A_489] : memref<2x384x128xf32, #tpu.memory_space<vmem>> -> memref<1x384x128xf32, #tpu.memory_space<vmem>>
    %dma_wait3A_491 = tpu.memref_squeeze %dma_wait3A_490 : memref<1x384x128xf32, #tpu.memory_space<vmem>> -> memref<384x128xf32, #tpu.memory_space<vmem>>
    %dma_wait3A_492 = arith.constant 0 : i32
    %dma_wait3A_493 = tpu.memref_slice %arg10[%mul3A_2, %dma_wait3A_492] : memref<12288x128xf32, #tpu.memory_space<hbm>> -> memref<384x128xf32, #tpu.memory_space<hbm>>
    %dma_wait3A_494 = arith.constant 0 : i32
    %dma_wait3A_495 = tpu.memref_slice %arg10[%mul3A_2, %dma_wait3A_494] : memref<12288x128xf32, #tpu.memory_space<hbm>> -> memref<384x128xf32, #tpu.memory_space<hbm>>
    %dma_wait3A_496 = arith.constant 0 : i32
    %dma_wait3A_497 = arith.constant 0 : i32
    %dma_wait3A_498 = tpu.memref_slice %arg14[%dma_wait3A_487, %dma_wait3A_496, %dma_wait3A_497] : memref<2x384x128xf32, #tpu.memory_space<vmem>> -> memref<1x384x128xf32, #tpu.memory_space<vmem>>
    %dma_wait3A_499 = tpu.memref_squeeze %dma_wait3A_498 : memref<1x384x128xf32, #tpu.memory_space<vmem>> -> memref<384x128xf32, #tpu.memory_space<vmem>>
    tpu.wait_dma2 semaphore(%arg17 : memref<!tpu.dma_semaphore, #tpu.memory_space<semaphore_mem>>) src(%dma_wait3A_499 : memref<384x128xf32, #tpu.memory_space<vmem>>) dst(%dma_wait3A_495 : memref<384x128xf32, #tpu.memory_space<hbm>>)
    %dma_wait3A_500 = arith.constant 1 : i32
    %dma_wait3A_501 = arith.constant 0 : i32
    %dma_wait3A_502 = arith.constant 0 : i32
    %dma_wait3A_503 = tpu.memref_slice %arg14[%dma_wait3A_500, %dma_wait3A_501, %dma_wait3A_502] : memref<2x384x128xf32, #tpu.memory_space<vmem>> -> memref<1x384x128xf32, #tpu.memory_space<vmem>>
    %dma_wait3A_504 = tpu.memref_squeeze %dma_wait3A_503 : memref<1x384x128xf32, #tpu.memory_space<vmem>> -> memref<384x128xf32, #tpu.memory_space<vmem>>
    %dma_wait3A_505 = arith.constant 0 : i32
    %dma_wait3A_506 = tpu.memref_slice %arg11[%mul3A_2, %dma_wait3A_505] : memref<12288x128xf32, #tpu.memory_space<hbm>> -> memref<384x128xf32, #tpu.memory_space<hbm>>
    %dma_wait3A_507 = arith.constant 0 : i32
    %dma_wait3A_508 = tpu.memref_slice %arg11[%mul3A_2, %dma_wait3A_507] : memref<12288x128xf32, #tpu.memory_space<hbm>> -> memref<384x128xf32, #tpu.memory_space<hbm>>
    %dma_wait3A_509 = arith.constant 0 : i32
    %dma_wait3A_510 = arith.constant 0 : i32
    %dma_wait3A_511 = tpu.memref_slice %arg14[%dma_wait3A_500, %dma_wait3A_509, %dma_wait3A_510] : memref<2x384x128xf32, #tpu.memory_space<vmem>> -> memref<1x384x128xf32, #tpu.memory_space<vmem>>
    %dma_wait3A_512 = tpu.memref_squeeze %dma_wait3A_511 : memref<1x384x128xf32, #tpu.memory_space<vmem>> -> memref<384x128xf32, #tpu.memory_space<vmem>>
    tpu.wait_dma2 semaphore(%arg18 : memref<!tpu.dma_semaphore, #tpu.memory_space<semaphore_mem>>) src(%dma_wait3A_512 : memref<384x128xf32, #tpu.memory_space<vmem>>) dst(%dma_wait3A_508 : memref<384x128xf32, #tpu.memory_space<hbm>>)
    return
  }
}

#map = affine_map<(d0, d1) -> (0)>
#map1 = affine_map<(d0, d1) -> (0, 0)>
module attributes {stable_mosaic.version = 14 : i64} {
  func.func @sc_gather4(%arg0: i32, %arg1: i32, %arg2: memref<4096xi32, #tpu.memory_space<hbm>>, %arg3: memref<4096xi32, #tpu.memory_space<hbm>>, %arg4: memref<480190x128xf32, #tpu.memory_space<hbm>>, %arg5: memref<17771x128xf32, #tpu.memory_space<hbm>>, %arg6: memref<480190x128xf32, #tpu.memory_space<hbm>>, %arg7: memref<17771x128xf32, #tpu.memory_space<hbm>>, %arg8: memref<4096x128xf32, #tpu.memory_space<hbm>>, %arg9: memref<4096x128xf32, #tpu.memory_space<hbm>>, %arg10: memref<4096x128xf32, #tpu.memory_space<hbm>>, %arg11: memref<4096x128xf32, #tpu.memory_space<hbm>>, %arg12: memref<1x128xi32, #tpu.memory_space<vmem>>, %arg13: memref<1x128xi32, #tpu.memory_space<vmem>>, %arg14: memref<2x128x128xf32, #tpu.memory_space<vmem>>, %arg15: memref<!tpu.dma_semaphore, #tpu.memory_space<semaphore_mem>>, %arg16: memref<!tpu.dma_semaphore, #tpu.memory_space<semaphore_mem>>, %arg17: memref<!tpu.dma_semaphore, #tpu.memory_space<semaphore_mem>>, %arg18: memref<!tpu.dma_semaphore, #tpu.memory_space<semaphore_mem>>, %arg19: memref<!tpu.dma_semaphore, #tpu.memory_space<semaphore_mem>>, %arg20: memref<!tpu.dma_semaphore, #tpu.memory_space<semaphore_mem>>) attributes {dimension_semantics = [#tpu.dimension_semantics<core_parallel>, #tpu.dimension_semantics<subcore_parallel>], iteration_bounds = array<i64: 2, 16>, scalar_prefetch = 0 : i64, scratch_operands = 9 : i64, tpu.core_type = #tpu.core_type<sc_vector_subcore>, window_params = [{transform_indices = #map}, {transform_indices = #map}, {transform_indices = #map1}, {transform_indices = #map1}, {transform_indices = #map1}, {transform_indices = #map1}, {transform_indices = #map1}, {transform_indices = #map1}, {transform_indices = #map1}, {transform_indices = #map1}]} {
    %mul3A = arith.constant 2 : i32
    %mul3A_0 = arith.muli %arg1, %mul3A : i32
    %add3A = arith.addi %mul3A_0, %arg0 : i32
    %mul3A_1 = arith.constant 128 : i32
    %mul3A_2 = arith.muli %add3A, %mul3A_1 : i32
    %add3A_3 = arith.constant 0 : i32
    %add3A_4 = arith.addi %mul3A_2, %add3A_3 : i32
    %dma_start3A = arith.constant 0 : i32
    %dma_start3A_5 = arith.constant 0 : i32
    %dma_start3A_6 = tpu.memref_slice %arg12[%dma_start3A, %dma_start3A_5] : memref<1x128xi32, #tpu.memory_space<vmem>> -> memref<1x128xi32, #tpu.memory_space<vmem>>
    %dma_start3A_7 = tpu.memref_squeeze %dma_start3A_6 : memref<1x128xi32, #tpu.memory_space<vmem>> -> memref<128xi32, #tpu.memory_space<vmem>>
    %dma_start3A_8 = tpu.memref_slice %arg2[%add3A_4] : memref<4096xi32, #tpu.memory_space<hbm>> -> memref<128xi32, #tpu.memory_space<hbm>>
    %dma_start3A_9 = arith.constant 0 : i32
    %dma_start3A_10 = tpu.memref_slice %arg12[%dma_start3A, %dma_start3A_9] : memref<1x128xi32, #tpu.memory_space<vmem>> -> memref<1x128xi32, #tpu.memory_space<vmem>>
    %dma_start3A_11 = tpu.memref_squeeze %dma_start3A_10 : memref<1x128xi32, #tpu.memory_space<vmem>> -> memref<128xi32, #tpu.memory_space<vmem>>
    %dma_start3A_12 = tpu.memref_slice %arg2[%add3A_4] : memref<4096xi32, #tpu.memory_space<hbm>> -> memref<128xi32, #tpu.memory_space<hbm>>
    tpu.enqueue_dma source(%dma_start3A_12 : memref<128xi32, #tpu.memory_space<hbm>>) target(%dma_start3A_11 : memref<128xi32, #tpu.memory_space<vmem>>) target_semaphore(%arg19 : memref<!tpu.dma_semaphore, #tpu.memory_space<semaphore_mem>>)
    %add3A_13 = arith.constant 0 : i32
    %add3A_14 = arith.addi %mul3A_2, %add3A_13 : i32
    %dma_start3A_15 = arith.constant 0 : i32
    %dma_start3A_16 = arith.constant 0 : i32
    %dma_start3A_17 = tpu.memref_slice %arg13[%dma_start3A_15, %dma_start3A_16] : memref<1x128xi32, #tpu.memory_space<vmem>> -> memref<1x128xi32, #tpu.memory_space<vmem>>
    %dma_start3A_18 = tpu.memref_squeeze %dma_start3A_17 : memref<1x128xi32, #tpu.memory_space<vmem>> -> memref<128xi32, #tpu.memory_space<vmem>>
    %dma_start3A_19 = tpu.memref_slice %arg3[%add3A_14] : memref<4096xi32, #tpu.memory_space<hbm>> -> memref<128xi32, #tpu.memory_space<hbm>>
    %dma_start3A_20 = arith.constant 0 : i32
    %dma_start3A_21 = tpu.memref_slice %arg13[%dma_start3A_15, %dma_start3A_20] : memref<1x128xi32, #tpu.memory_space<vmem>> -> memref<1x128xi32, #tpu.memory_space<vmem>>
    %dma_start3A_22 = tpu.memref_squeeze %dma_start3A_21 : memref<1x128xi32, #tpu.memory_space<vmem>> -> memref<128xi32, #tpu.memory_space<vmem>>
    %dma_start3A_23 = tpu.memref_slice %arg3[%add3A_14] : memref<4096xi32, #tpu.memory_space<hbm>> -> memref<128xi32, #tpu.memory_space<hbm>>
    tpu.enqueue_dma source(%dma_start3A_23 : memref<128xi32, #tpu.memory_space<hbm>>) target(%dma_start3A_22 : memref<128xi32, #tpu.memory_space<vmem>>) target_semaphore(%arg20 : memref<!tpu.dma_semaphore, #tpu.memory_space<semaphore_mem>>)
    %dma_wait3A = arith.constant 0 : i32
    %dma_wait3A_24 = arith.constant 0 : i32
    %dma_wait3A_25 = tpu.memref_slice %arg12[%dma_wait3A, %dma_wait3A_24] : memref<1x128xi32, #tpu.memory_space<vmem>> -> memref<1x128xi32, #tpu.memory_space<vmem>>
    %dma_wait3A_26 = tpu.memref_squeeze %dma_wait3A_25 : memref<1x128xi32, #tpu.memory_space<vmem>> -> memref<128xi32, #tpu.memory_space<vmem>>
    %dma_wait3A_27 = tpu.memref_slice %arg2[%add3A_4] : memref<4096xi32, #tpu.memory_space<hbm>> -> memref<128xi32, #tpu.memory_space<hbm>>
    %dma_wait3A_28 = arith.constant 0 : i32
    %dma_wait3A_29 = tpu.memref_slice %arg12[%dma_wait3A, %dma_wait3A_28] : memref<1x128xi32, #tpu.memory_space<vmem>> -> memref<1x128xi32, #tpu.memory_space<vmem>>
    %dma_wait3A_30 = tpu.memref_squeeze %dma_wait3A_29 : memref<1x128xi32, #tpu.memory_space<vmem>> -> memref<128xi32, #tpu.memory_space<vmem>>
    %dma_wait3A_31 = tpu.memref_slice %arg2[%add3A_4] : memref<4096xi32, #tpu.memory_space<hbm>> -> memref<128xi32, #tpu.memory_space<hbm>>
    tpu.wait_dma2 semaphore(%arg19 : memref<!tpu.dma_semaphore, #tpu.memory_space<semaphore_mem>>) src(%dma_wait3A_31 : memref<128xi32, #tpu.memory_space<hbm>>) dst(%dma_wait3A_30 : memref<128xi32, #tpu.memory_space<vmem>>)
    %dma_wait3A_32 = arith.constant 0 : i32
    %dma_wait3A_33 = arith.constant 0 : i32
    %dma_wait3A_34 = tpu.memref_slice %arg13[%dma_wait3A_32, %dma_wait3A_33] : memref<1x128xi32, #tpu.memory_space<vmem>> -> memref<1x128xi32, #tpu.memory_space<vmem>>
    %dma_wait3A_35 = tpu.memref_squeeze %dma_wait3A_34 : memref<1x128xi32, #tpu.memory_space<vmem>> -> memref<128xi32, #tpu.memory_space<vmem>>
    %dma_wait3A_36 = tpu.memref_slice %arg3[%add3A_14] : memref<4096xi32, #tpu.memory_space<hbm>> -> memref<128xi32, #tpu.memory_space<hbm>>
    %dma_wait3A_37 = arith.constant 0 : i32
    %dma_wait3A_38 = tpu.memref_slice %arg13[%dma_wait3A_32, %dma_wait3A_37] : memref<1x128xi32, #tpu.memory_space<vmem>> -> memref<1x128xi32, #tpu.memory_space<vmem>>
    %dma_wait3A_39 = tpu.memref_squeeze %dma_wait3A_38 : memref<1x128xi32, #tpu.memory_space<vmem>> -> memref<128xi32, #tpu.memory_space<vmem>>
    %dma_wait3A_40 = tpu.memref_slice %arg3[%add3A_14] : memref<4096xi32, #tpu.memory_space<hbm>> -> memref<128xi32, #tpu.memory_space<hbm>>
    tpu.wait_dma2 semaphore(%arg20 : memref<!tpu.dma_semaphore, #tpu.memory_space<semaphore_mem>>) src(%dma_wait3A_40 : memref<128xi32, #tpu.memory_space<hbm>>) dst(%dma_wait3A_39 : memref<128xi32, #tpu.memory_space<vmem>>)
    %dma_start3A_41 = arith.constant 0 : i32
    %dma_start3A_42 = arith.constant 0 : i32
    %dma_start3A_43 = arith.constant 0 : i32
    %dma_start3A_44 = arith.constant 0 : i32
    %dma_start3A_45 = tpu.memref_slice %arg14[%dma_start3A_42, %dma_start3A_43, %dma_start3A_44] : memref<2x128x128xf32, #tpu.memory_space<vmem>> -> memref<1x128x128xf32, #tpu.memory_space<vmem>>
    %dma_start3A_46 = tpu.memref_squeeze %dma_start3A_45 : memref<1x128x128xf32, #tpu.memory_space<vmem>> -> memref<128x128xf32, #tpu.memory_space<vmem>>
    %dma_start3A_47 = arith.constant 0 : i32
    %dma_start3A_48 = tpu.memref_slice %arg12[%dma_start3A_41, %dma_start3A_47] : memref<1x128xi32, #tpu.memory_space<vmem>> -> memref<1x128xi32, #tpu.memory_space<vmem>>
    %dma_start3A_49 = tpu.memref_squeeze %dma_start3A_48 : memref<1x128xi32, #tpu.memory_space<vmem>> -> memref<128xi32, #tpu.memory_space<vmem>>
    %dma_start3A_50 = arith.constant 0 : i32
    %dma_start3A_51 = arith.constant 0 : i32
    %dma_start3A_52 = tpu.memref_slice %arg4[%dma_start3A_50, %dma_start3A_51] : memref<480190x128xf32, #tpu.memory_space<hbm>> -> memref<480190x128xf32, #tpu.memory_space<hbm>>
    tpu.enqueue_indirect_dma source(%dma_start3A_52 : memref<480190x128xf32, #tpu.memory_space<hbm>>) target(%dma_start3A_46 : memref<128x128xf32, #tpu.memory_space<vmem>>) offsets(%dma_start3A_49 : memref<128xi32, #tpu.memory_space<vmem>>) semaphore(%arg15 : memref<!tpu.dma_semaphore, #tpu.memory_space<semaphore_mem>>)
    %dma_start3A_53 = arith.constant 0 : i32
    %dma_start3A_54 = arith.constant 1 : i32
    %dma_start3A_55 = arith.constant 0 : i32
    %dma_start3A_56 = arith.constant 0 : i32
    %dma_start3A_57 = tpu.memref_slice %arg14[%dma_start3A_54, %dma_start3A_55, %dma_start3A_56] : memref<2x128x128xf32, #tpu.memory_space<vmem>> -> memref<1x128x128xf32, #tpu.memory_space<vmem>>
    %dma_start3A_58 = tpu.memref_squeeze %dma_start3A_57 : memref<1x128x128xf32, #tpu.memory_space<vmem>> -> memref<128x128xf32, #tpu.memory_space<vmem>>
    %dma_start3A_59 = arith.constant 0 : i32
    %dma_start3A_60 = tpu.memref_slice %arg13[%dma_start3A_53, %dma_start3A_59] : memref<1x128xi32, #tpu.memory_space<vmem>> -> memref<1x128xi32, #tpu.memory_space<vmem>>
    %dma_start3A_61 = tpu.memref_squeeze %dma_start3A_60 : memref<1x128xi32, #tpu.memory_space<vmem>> -> memref<128xi32, #tpu.memory_space<vmem>>
    %dma_start3A_62 = arith.constant 0 : i32
    %dma_start3A_63 = arith.constant 0 : i32
    %dma_start3A_64 = tpu.memref_slice %arg5[%dma_start3A_62, %dma_start3A_63] : memref<17771x128xf32, #tpu.memory_space<hbm>> -> memref<17771x128xf32, #tpu.memory_space<hbm>>
    tpu.enqueue_indirect_dma source(%dma_start3A_64 : memref<17771x128xf32, #tpu.memory_space<hbm>>) target(%dma_start3A_58 : memref<128x128xf32, #tpu.memory_space<vmem>>) offsets(%dma_start3A_61 : memref<128xi32, #tpu.memory_space<vmem>>) semaphore(%arg16 : memref<!tpu.dma_semaphore, #tpu.memory_space<semaphore_mem>>)
    %dma_wait3A_65 = arith.constant 0 : i32
    %dma_wait3A_66 = arith.constant 0 : i32
    %dma_wait3A_67 = arith.constant 0 : i32
    %dma_wait3A_68 = arith.constant 0 : i32
    %dma_wait3A_69 = tpu.memref_slice %arg14[%dma_wait3A_66, %dma_wait3A_67, %dma_wait3A_68] : memref<2x128x128xf32, #tpu.memory_space<vmem>> -> memref<1x128x128xf32, #tpu.memory_space<vmem>>
    %dma_wait3A_70 = tpu.memref_squeeze %dma_wait3A_69 : memref<1x128x128xf32, #tpu.memory_space<vmem>> -> memref<128x128xf32, #tpu.memory_space<vmem>>
    %dma_wait3A_71 = arith.constant 0 : i32
    %dma_wait3A_72 = tpu.memref_slice %arg12[%dma_wait3A_65, %dma_wait3A_71] : memref<1x128xi32, #tpu.memory_space<vmem>> -> memref<1x128xi32, #tpu.memory_space<vmem>>
    %dma_wait3A_73 = tpu.memref_squeeze %dma_wait3A_72 : memref<1x128xi32, #tpu.memory_space<vmem>> -> memref<128xi32, #tpu.memory_space<vmem>>
    %dma_wait3A_74 = arith.constant 0 : i32
    %dma_wait3A_75 = arith.constant 0 : i32
    %dma_wait3A_76 = tpu.memref_slice %arg4[%dma_wait3A_74, %dma_wait3A_75] : memref<480190x128xf32, #tpu.memory_space<hbm>> -> memref<480190x128xf32, #tpu.memory_space<hbm>>
    tpu.wait_indirect_dma semaphore(%arg15 : memref<!tpu.dma_semaphore, #tpu.memory_space<semaphore_mem>>) src(%dma_wait3A_76 : memref<480190x128xf32, #tpu.memory_space<hbm>>) dst(%dma_wait3A_70 : memref<128x128xf32, #tpu.memory_space<vmem>>)
    %dma_start3A_77 = arith.constant 0 : i32
    %dma_start3A_78 = arith.constant 0 : i32
    %dma_start3A_79 = arith.constant 0 : i32
    %dma_start3A_80 = tpu.memref_slice %arg14[%dma_start3A_77, %dma_start3A_78, %dma_start3A_79] : memref<2x128x128xf32, #tpu.memory_space<vmem>> -> memref<1x128x128xf32, #tpu.memory_space<vmem>>
    %dma_start3A_81 = tpu.memref_squeeze %dma_start3A_80 : memref<1x128x128xf32, #tpu.memory_space<vmem>> -> memref<128x128xf32, #tpu.memory_space<vmem>>
    %dma_start3A_82 = arith.constant 0 : i32
    %dma_start3A_83 = tpu.memref_slice %arg8[%mul3A_2, %dma_start3A_82] : memref<4096x128xf32, #tpu.memory_space<hbm>> -> memref<128x128xf32, #tpu.memory_space<hbm>>
    %dma_start3A_84 = arith.constant 0 : i32
    %dma_start3A_85 = tpu.memref_slice %arg8[%mul3A_2, %dma_start3A_84] : memref<4096x128xf32, #tpu.memory_space<hbm>> -> memref<128x128xf32, #tpu.memory_space<hbm>>
    %dma_start3A_86 = arith.constant 0 : i32
    %dma_start3A_87 = arith.constant 0 : i32
    %dma_start3A_88 = tpu.memref_slice %arg14[%dma_start3A_77, %dma_start3A_86, %dma_start3A_87] : memref<2x128x128xf32, #tpu.memory_space<vmem>> -> memref<1x128x128xf32, #tpu.memory_space<vmem>>
    %dma_start3A_89 = tpu.memref_squeeze %dma_start3A_88 : memref<1x128x128xf32, #tpu.memory_space<vmem>> -> memref<128x128xf32, #tpu.memory_space<vmem>>
    tpu.enqueue_dma source(%dma_start3A_89 : memref<128x128xf32, #tpu.memory_space<vmem>>) target(%dma_start3A_85 : memref<128x128xf32, #tpu.memory_space<hbm>>) target_semaphore(%arg17 : memref<!tpu.dma_semaphore, #tpu.memory_space<semaphore_mem>>)
    %dma_wait3A_90 = arith.constant 0 : i32
    %dma_wait3A_91 = arith.constant 0 : i32
    %dma_wait3A_92 = arith.constant 0 : i32
    %dma_wait3A_93 = tpu.memref_slice %arg14[%dma_wait3A_90, %dma_wait3A_91, %dma_wait3A_92] : memref<2x128x128xf32, #tpu.memory_space<vmem>> -> memref<1x128x128xf32, #tpu.memory_space<vmem>>
    %dma_wait3A_94 = tpu.memref_squeeze %dma_wait3A_93 : memref<1x128x128xf32, #tpu.memory_space<vmem>> -> memref<128x128xf32, #tpu.memory_space<vmem>>
    %dma_wait3A_95 = arith.constant 0 : i32
    %dma_wait3A_96 = tpu.memref_slice %arg8[%mul3A_2, %dma_wait3A_95] : memref<4096x128xf32, #tpu.memory_space<hbm>> -> memref<128x128xf32, #tpu.memory_space<hbm>>
    %dma_wait3A_97 = arith.constant 0 : i32
    %dma_wait3A_98 = tpu.memref_slice %arg8[%mul3A_2, %dma_wait3A_97] : memref<4096x128xf32, #tpu.memory_space<hbm>> -> memref<128x128xf32, #tpu.memory_space<hbm>>
    %dma_wait3A_99 = arith.constant 0 : i32
    %dma_wait3A_100 = arith.constant 0 : i32
    %dma_wait3A_101 = tpu.memref_slice %arg14[%dma_wait3A_90, %dma_wait3A_99, %dma_wait3A_100] : memref<2x128x128xf32, #tpu.memory_space<vmem>> -> memref<1x128x128xf32, #tpu.memory_space<vmem>>
    %dma_wait3A_102 = tpu.memref_squeeze %dma_wait3A_101 : memref<1x128x128xf32, #tpu.memory_space<vmem>> -> memref<128x128xf32, #tpu.memory_space<vmem>>
    tpu.wait_dma2 semaphore(%arg17 : memref<!tpu.dma_semaphore, #tpu.memory_space<semaphore_mem>>) src(%dma_wait3A_102 : memref<128x128xf32, #tpu.memory_space<vmem>>) dst(%dma_wait3A_98 : memref<128x128xf32, #tpu.memory_space<hbm>>)
    %dma_start3A_103 = arith.constant 0 : i32
    %dma_start3A_104 = arith.constant 0 : i32
    %dma_start3A_105 = arith.constant 0 : i32
    %dma_start3A_106 = arith.constant 0 : i32
    %dma_start3A_107 = tpu.memref_slice %arg14[%dma_start3A_104, %dma_start3A_105, %dma_start3A_106] : memref<2x128x128xf32, #tpu.memory_space<vmem>> -> memref<1x128x128xf32, #tpu.memory_space<vmem>>
    %dma_start3A_108 = tpu.memref_squeeze %dma_start3A_107 : memref<1x128x128xf32, #tpu.memory_space<vmem>> -> memref<128x128xf32, #tpu.memory_space<vmem>>
    %dma_start3A_109 = arith.constant 0 : i32
    %dma_start3A_110 = tpu.memref_slice %arg12[%dma_start3A_103, %dma_start3A_109] : memref<1x128xi32, #tpu.memory_space<vmem>> -> memref<1x128xi32, #tpu.memory_space<vmem>>
    %dma_start3A_111 = tpu.memref_squeeze %dma_start3A_110 : memref<1x128xi32, #tpu.memory_space<vmem>> -> memref<128xi32, #tpu.memory_space<vmem>>
    %dma_start3A_112 = arith.constant 0 : i32
    %dma_start3A_113 = arith.constant 0 : i32
    %dma_start3A_114 = tpu.memref_slice %arg6[%dma_start3A_112, %dma_start3A_113] : memref<480190x128xf32, #tpu.memory_space<hbm>> -> memref<480190x128xf32, #tpu.memory_space<hbm>>
    tpu.enqueue_indirect_dma source(%dma_start3A_114 : memref<480190x128xf32, #tpu.memory_space<hbm>>) target(%dma_start3A_108 : memref<128x128xf32, #tpu.memory_space<vmem>>) offsets(%dma_start3A_111 : memref<128xi32, #tpu.memory_space<vmem>>) semaphore(%arg15 : memref<!tpu.dma_semaphore, #tpu.memory_space<semaphore_mem>>)
    %dma_wait3A_115 = arith.constant 0 : i32
    %dma_wait3A_116 = arith.constant 1 : i32
    %dma_wait3A_117 = arith.constant 0 : i32
    %dma_wait3A_118 = arith.constant 0 : i32
    %dma_wait3A_119 = tpu.memref_slice %arg14[%dma_wait3A_116, %dma_wait3A_117, %dma_wait3A_118] : memref<2x128x128xf32, #tpu.memory_space<vmem>> -> memref<1x128x128xf32, #tpu.memory_space<vmem>>
    %dma_wait3A_120 = tpu.memref_squeeze %dma_wait3A_119 : memref<1x128x128xf32, #tpu.memory_space<vmem>> -> memref<128x128xf32, #tpu.memory_space<vmem>>
    %dma_wait3A_121 = arith.constant 0 : i32
    %dma_wait3A_122 = tpu.memref_slice %arg13[%dma_wait3A_115, %dma_wait3A_121] : memref<1x128xi32, #tpu.memory_space<vmem>> -> memref<1x128xi32, #tpu.memory_space<vmem>>
    %dma_wait3A_123 = tpu.memref_squeeze %dma_wait3A_122 : memref<1x128xi32, #tpu.memory_space<vmem>> -> memref<128xi32, #tpu.memory_space<vmem>>
    %dma_wait3A_124 = arith.constant 0 : i32
    %dma_wait3A_125 = arith.constant 0 : i32
    %dma_wait3A_126 = tpu.memref_slice %arg5[%dma_wait3A_124, %dma_wait3A_125] : memref<17771x128xf32, #tpu.memory_space<hbm>> -> memref<17771x128xf32, #tpu.memory_space<hbm>>
    tpu.wait_indirect_dma semaphore(%arg16 : memref<!tpu.dma_semaphore, #tpu.memory_space<semaphore_mem>>) src(%dma_wait3A_126 : memref<17771x128xf32, #tpu.memory_space<hbm>>) dst(%dma_wait3A_120 : memref<128x128xf32, #tpu.memory_space<vmem>>)
    %dma_start3A_127 = arith.constant 1 : i32
    %dma_start3A_128 = arith.constant 0 : i32
    %dma_start3A_129 = arith.constant 0 : i32
    %dma_start3A_130 = tpu.memref_slice %arg14[%dma_start3A_127, %dma_start3A_128, %dma_start3A_129] : memref<2x128x128xf32, #tpu.memory_space<vmem>> -> memref<1x128x128xf32, #tpu.memory_space<vmem>>
    %dma_start3A_131 = tpu.memref_squeeze %dma_start3A_130 : memref<1x128x128xf32, #tpu.memory_space<vmem>> -> memref<128x128xf32, #tpu.memory_space<vmem>>
    %dma_start3A_132 = arith.constant 0 : i32
    %dma_start3A_133 = tpu.memref_slice %arg9[%mul3A_2, %dma_start3A_132] : memref<4096x128xf32, #tpu.memory_space<hbm>> -> memref<128x128xf32, #tpu.memory_space<hbm>>
    %dma_start3A_134 = arith.constant 0 : i32
    %dma_start3A_135 = tpu.memref_slice %arg9[%mul3A_2, %dma_start3A_134] : memref<4096x128xf32, #tpu.memory_space<hbm>> -> memref<128x128xf32, #tpu.memory_space<hbm>>
    %dma_start3A_136 = arith.constant 0 : i32
    %dma_start3A_137 = arith.constant 0 : i32
    %dma_start3A_138 = tpu.memref_slice %arg14[%dma_start3A_127, %dma_start3A_136, %dma_start3A_137] : memref<2x128x128xf32, #tpu.memory_space<vmem>> -> memref<1x128x128xf32, #tpu.memory_space<vmem>>
    %dma_start3A_139 = tpu.memref_squeeze %dma_start3A_138 : memref<1x128x128xf32, #tpu.memory_space<vmem>> -> memref<128x128xf32, #tpu.memory_space<vmem>>
    tpu.enqueue_dma source(%dma_start3A_139 : memref<128x128xf32, #tpu.memory_space<vmem>>) target(%dma_start3A_135 : memref<128x128xf32, #tpu.memory_space<hbm>>) target_semaphore(%arg18 : memref<!tpu.dma_semaphore, #tpu.memory_space<semaphore_mem>>)
    %dma_wait3A_140 = arith.constant 1 : i32
    %dma_wait3A_141 = arith.constant 0 : i32
    %dma_wait3A_142 = arith.constant 0 : i32
    %dma_wait3A_143 = tpu.memref_slice %arg14[%dma_wait3A_140, %dma_wait3A_141, %dma_wait3A_142] : memref<2x128x128xf32, #tpu.memory_space<vmem>> -> memref<1x128x128xf32, #tpu.memory_space<vmem>>
    %dma_wait3A_144 = tpu.memref_squeeze %dma_wait3A_143 : memref<1x128x128xf32, #tpu.memory_space<vmem>> -> memref<128x128xf32, #tpu.memory_space<vmem>>
    %dma_wait3A_145 = arith.constant 0 : i32
    %dma_wait3A_146 = tpu.memref_slice %arg9[%mul3A_2, %dma_wait3A_145] : memref<4096x128xf32, #tpu.memory_space<hbm>> -> memref<128x128xf32, #tpu.memory_space<hbm>>
    %dma_wait3A_147 = arith.constant 0 : i32
    %dma_wait3A_148 = tpu.memref_slice %arg9[%mul3A_2, %dma_wait3A_147] : memref<4096x128xf32, #tpu.memory_space<hbm>> -> memref<128x128xf32, #tpu.memory_space<hbm>>
    %dma_wait3A_149 = arith.constant 0 : i32
    %dma_wait3A_150 = arith.constant 0 : i32
    %dma_wait3A_151 = tpu.memref_slice %arg14[%dma_wait3A_140, %dma_wait3A_149, %dma_wait3A_150] : memref<2x128x128xf32, #tpu.memory_space<vmem>> -> memref<1x128x128xf32, #tpu.memory_space<vmem>>
    %dma_wait3A_152 = tpu.memref_squeeze %dma_wait3A_151 : memref<1x128x128xf32, #tpu.memory_space<vmem>> -> memref<128x128xf32, #tpu.memory_space<vmem>>
    tpu.wait_dma2 semaphore(%arg18 : memref<!tpu.dma_semaphore, #tpu.memory_space<semaphore_mem>>) src(%dma_wait3A_152 : memref<128x128xf32, #tpu.memory_space<vmem>>) dst(%dma_wait3A_148 : memref<128x128xf32, #tpu.memory_space<hbm>>)
    %dma_start3A_153 = arith.constant 0 : i32
    %dma_start3A_154 = arith.constant 1 : i32
    %dma_start3A_155 = arith.constant 0 : i32
    %dma_start3A_156 = arith.constant 0 : i32
    %dma_start3A_157 = tpu.memref_slice %arg14[%dma_start3A_154, %dma_start3A_155, %dma_start3A_156] : memref<2x128x128xf32, #tpu.memory_space<vmem>> -> memref<1x128x128xf32, #tpu.memory_space<vmem>>
    %dma_start3A_158 = tpu.memref_squeeze %dma_start3A_157 : memref<1x128x128xf32, #tpu.memory_space<vmem>> -> memref<128x128xf32, #tpu.memory_space<vmem>>
    %dma_start3A_159 = arith.constant 0 : i32
    %dma_start3A_160 = tpu.memref_slice %arg13[%dma_start3A_153, %dma_start3A_159] : memref<1x128xi32, #tpu.memory_space<vmem>> -> memref<1x128xi32, #tpu.memory_space<vmem>>
    %dma_start3A_161 = tpu.memref_squeeze %dma_start3A_160 : memref<1x128xi32, #tpu.memory_space<vmem>> -> memref<128xi32, #tpu.memory_space<vmem>>
    %dma_start3A_162 = arith.constant 0 : i32
    %dma_start3A_163 = arith.constant 0 : i32
    %dma_start3A_164 = tpu.memref_slice %arg7[%dma_start3A_162, %dma_start3A_163] : memref<17771x128xf32, #tpu.memory_space<hbm>> -> memref<17771x128xf32, #tpu.memory_space<hbm>>
    tpu.enqueue_indirect_dma source(%dma_start3A_164 : memref<17771x128xf32, #tpu.memory_space<hbm>>) target(%dma_start3A_158 : memref<128x128xf32, #tpu.memory_space<vmem>>) offsets(%dma_start3A_161 : memref<128xi32, #tpu.memory_space<vmem>>) semaphore(%arg16 : memref<!tpu.dma_semaphore, #tpu.memory_space<semaphore_mem>>)
    %dma_wait3A_165 = arith.constant 0 : i32
    %dma_wait3A_166 = arith.constant 0 : i32
    %dma_wait3A_167 = arith.constant 0 : i32
    %dma_wait3A_168 = arith.constant 0 : i32
    %dma_wait3A_169 = tpu.memref_slice %arg14[%dma_wait3A_166, %dma_wait3A_167, %dma_wait3A_168] : memref<2x128x128xf32, #tpu.memory_space<vmem>> -> memref<1x128x128xf32, #tpu.memory_space<vmem>>
    %dma_wait3A_170 = tpu.memref_squeeze %dma_wait3A_169 : memref<1x128x128xf32, #tpu.memory_space<vmem>> -> memref<128x128xf32, #tpu.memory_space<vmem>>
    %dma_wait3A_171 = arith.constant 0 : i32
    %dma_wait3A_172 = tpu.memref_slice %arg12[%dma_wait3A_165, %dma_wait3A_171] : memref<1x128xi32, #tpu.memory_space<vmem>> -> memref<1x128xi32, #tpu.memory_space<vmem>>
    %dma_wait3A_173 = tpu.memref_squeeze %dma_wait3A_172 : memref<1x128xi32, #tpu.memory_space<vmem>> -> memref<128xi32, #tpu.memory_space<vmem>>
    %dma_wait3A_174 = arith.constant 0 : i32
    %dma_wait3A_175 = arith.constant 0 : i32
    %dma_wait3A_176 = tpu.memref_slice %arg6[%dma_wait3A_174, %dma_wait3A_175] : memref<480190x128xf32, #tpu.memory_space<hbm>> -> memref<480190x128xf32, #tpu.memory_space<hbm>>
    tpu.wait_indirect_dma semaphore(%arg15 : memref<!tpu.dma_semaphore, #tpu.memory_space<semaphore_mem>>) src(%dma_wait3A_176 : memref<480190x128xf32, #tpu.memory_space<hbm>>) dst(%dma_wait3A_170 : memref<128x128xf32, #tpu.memory_space<vmem>>)
    %dma_start3A_177 = arith.constant 0 : i32
    %dma_start3A_178 = arith.constant 0 : i32
    %dma_start3A_179 = arith.constant 0 : i32
    %dma_start3A_180 = tpu.memref_slice %arg14[%dma_start3A_177, %dma_start3A_178, %dma_start3A_179] : memref<2x128x128xf32, #tpu.memory_space<vmem>> -> memref<1x128x128xf32, #tpu.memory_space<vmem>>
    %dma_start3A_181 = tpu.memref_squeeze %dma_start3A_180 : memref<1x128x128xf32, #tpu.memory_space<vmem>> -> memref<128x128xf32, #tpu.memory_space<vmem>>
    %dma_start3A_182 = arith.constant 0 : i32
    %dma_start3A_183 = tpu.memref_slice %arg10[%mul3A_2, %dma_start3A_182] : memref<4096x128xf32, #tpu.memory_space<hbm>> -> memref<128x128xf32, #tpu.memory_space<hbm>>
    %dma_start3A_184 = arith.constant 0 : i32
    %dma_start3A_185 = tpu.memref_slice %arg10[%mul3A_2, %dma_start3A_184] : memref<4096x128xf32, #tpu.memory_space<hbm>> -> memref<128x128xf32, #tpu.memory_space<hbm>>
    %dma_start3A_186 = arith.constant 0 : i32
    %dma_start3A_187 = arith.constant 0 : i32
    %dma_start3A_188 = tpu.memref_slice %arg14[%dma_start3A_177, %dma_start3A_186, %dma_start3A_187] : memref<2x128x128xf32, #tpu.memory_space<vmem>> -> memref<1x128x128xf32, #tpu.memory_space<vmem>>
    %dma_start3A_189 = tpu.memref_squeeze %dma_start3A_188 : memref<1x128x128xf32, #tpu.memory_space<vmem>> -> memref<128x128xf32, #tpu.memory_space<vmem>>
    tpu.enqueue_dma source(%dma_start3A_189 : memref<128x128xf32, #tpu.memory_space<vmem>>) target(%dma_start3A_185 : memref<128x128xf32, #tpu.memory_space<hbm>>) target_semaphore(%arg17 : memref<!tpu.dma_semaphore, #tpu.memory_space<semaphore_mem>>)
    %dma_wait3A_190 = arith.constant 0 : i32
    %dma_wait3A_191 = arith.constant 1 : i32
    %dma_wait3A_192 = arith.constant 0 : i32
    %dma_wait3A_193 = arith.constant 0 : i32
    %dma_wait3A_194 = tpu.memref_slice %arg14[%dma_wait3A_191, %dma_wait3A_192, %dma_wait3A_193] : memref<2x128x128xf32, #tpu.memory_space<vmem>> -> memref<1x128x128xf32, #tpu.memory_space<vmem>>
    %dma_wait3A_195 = tpu.memref_squeeze %dma_wait3A_194 : memref<1x128x128xf32, #tpu.memory_space<vmem>> -> memref<128x128xf32, #tpu.memory_space<vmem>>
    %dma_wait3A_196 = arith.constant 0 : i32
    %dma_wait3A_197 = tpu.memref_slice %arg13[%dma_wait3A_190, %dma_wait3A_196] : memref<1x128xi32, #tpu.memory_space<vmem>> -> memref<1x128xi32, #tpu.memory_space<vmem>>
    %dma_wait3A_198 = tpu.memref_squeeze %dma_wait3A_197 : memref<1x128xi32, #tpu.memory_space<vmem>> -> memref<128xi32, #tpu.memory_space<vmem>>
    %dma_wait3A_199 = arith.constant 0 : i32
    %dma_wait3A_200 = arith.constant 0 : i32
    %dma_wait3A_201 = tpu.memref_slice %arg7[%dma_wait3A_199, %dma_wait3A_200] : memref<17771x128xf32, #tpu.memory_space<hbm>> -> memref<17771x128xf32, #tpu.memory_space<hbm>>
    tpu.wait_indirect_dma semaphore(%arg16 : memref<!tpu.dma_semaphore, #tpu.memory_space<semaphore_mem>>) src(%dma_wait3A_201 : memref<17771x128xf32, #tpu.memory_space<hbm>>) dst(%dma_wait3A_195 : memref<128x128xf32, #tpu.memory_space<vmem>>)
    %dma_start3A_202 = arith.constant 1 : i32
    %dma_start3A_203 = arith.constant 0 : i32
    %dma_start3A_204 = arith.constant 0 : i32
    %dma_start3A_205 = tpu.memref_slice %arg14[%dma_start3A_202, %dma_start3A_203, %dma_start3A_204] : memref<2x128x128xf32, #tpu.memory_space<vmem>> -> memref<1x128x128xf32, #tpu.memory_space<vmem>>
    %dma_start3A_206 = tpu.memref_squeeze %dma_start3A_205 : memref<1x128x128xf32, #tpu.memory_space<vmem>> -> memref<128x128xf32, #tpu.memory_space<vmem>>
    %dma_start3A_207 = arith.constant 0 : i32
    %dma_start3A_208 = tpu.memref_slice %arg11[%mul3A_2, %dma_start3A_207] : memref<4096x128xf32, #tpu.memory_space<hbm>> -> memref<128x128xf32, #tpu.memory_space<hbm>>
    %dma_start3A_209 = arith.constant 0 : i32
    %dma_start3A_210 = tpu.memref_slice %arg11[%mul3A_2, %dma_start3A_209] : memref<4096x128xf32, #tpu.memory_space<hbm>> -> memref<128x128xf32, #tpu.memory_space<hbm>>
    %dma_start3A_211 = arith.constant 0 : i32
    %dma_start3A_212 = arith.constant 0 : i32
    %dma_start3A_213 = tpu.memref_slice %arg14[%dma_start3A_202, %dma_start3A_211, %dma_start3A_212] : memref<2x128x128xf32, #tpu.memory_space<vmem>> -> memref<1x128x128xf32, #tpu.memory_space<vmem>>
    %dma_start3A_214 = tpu.memref_squeeze %dma_start3A_213 : memref<1x128x128xf32, #tpu.memory_space<vmem>> -> memref<128x128xf32, #tpu.memory_space<vmem>>
    tpu.enqueue_dma source(%dma_start3A_214 : memref<128x128xf32, #tpu.memory_space<vmem>>) target(%dma_start3A_210 : memref<128x128xf32, #tpu.memory_space<hbm>>) target_semaphore(%arg18 : memref<!tpu.dma_semaphore, #tpu.memory_space<semaphore_mem>>)
    %dma_wait3A_215 = arith.constant 0 : i32
    %dma_wait3A_216 = arith.constant 0 : i32
    %dma_wait3A_217 = arith.constant 0 : i32
    %dma_wait3A_218 = tpu.memref_slice %arg14[%dma_wait3A_215, %dma_wait3A_216, %dma_wait3A_217] : memref<2x128x128xf32, #tpu.memory_space<vmem>> -> memref<1x128x128xf32, #tpu.memory_space<vmem>>
    %dma_wait3A_219 = tpu.memref_squeeze %dma_wait3A_218 : memref<1x128x128xf32, #tpu.memory_space<vmem>> -> memref<128x128xf32, #tpu.memory_space<vmem>>
    %dma_wait3A_220 = arith.constant 0 : i32
    %dma_wait3A_221 = tpu.memref_slice %arg10[%mul3A_2, %dma_wait3A_220] : memref<4096x128xf32, #tpu.memory_space<hbm>> -> memref<128x128xf32, #tpu.memory_space<hbm>>
    %dma_wait3A_222 = arith.constant 0 : i32
    %dma_wait3A_223 = tpu.memref_slice %arg10[%mul3A_2, %dma_wait3A_222] : memref<4096x128xf32, #tpu.memory_space<hbm>> -> memref<128x128xf32, #tpu.memory_space<hbm>>
    %dma_wait3A_224 = arith.constant 0 : i32
    %dma_wait3A_225 = arith.constant 0 : i32
    %dma_wait3A_226 = tpu.memref_slice %arg14[%dma_wait3A_215, %dma_wait3A_224, %dma_wait3A_225] : memref<2x128x128xf32, #tpu.memory_space<vmem>> -> memref<1x128x128xf32, #tpu.memory_space<vmem>>
    %dma_wait3A_227 = tpu.memref_squeeze %dma_wait3A_226 : memref<1x128x128xf32, #tpu.memory_space<vmem>> -> memref<128x128xf32, #tpu.memory_space<vmem>>
    tpu.wait_dma2 semaphore(%arg17 : memref<!tpu.dma_semaphore, #tpu.memory_space<semaphore_mem>>) src(%dma_wait3A_227 : memref<128x128xf32, #tpu.memory_space<vmem>>) dst(%dma_wait3A_223 : memref<128x128xf32, #tpu.memory_space<hbm>>)
    %dma_wait3A_228 = arith.constant 1 : i32
    %dma_wait3A_229 = arith.constant 0 : i32
    %dma_wait3A_230 = arith.constant 0 : i32
    %dma_wait3A_231 = tpu.memref_slice %arg14[%dma_wait3A_228, %dma_wait3A_229, %dma_wait3A_230] : memref<2x128x128xf32, #tpu.memory_space<vmem>> -> memref<1x128x128xf32, #tpu.memory_space<vmem>>
    %dma_wait3A_232 = tpu.memref_squeeze %dma_wait3A_231 : memref<1x128x128xf32, #tpu.memory_space<vmem>> -> memref<128x128xf32, #tpu.memory_space<vmem>>
    %dma_wait3A_233 = arith.constant 0 : i32
    %dma_wait3A_234 = tpu.memref_slice %arg11[%mul3A_2, %dma_wait3A_233] : memref<4096x128xf32, #tpu.memory_space<hbm>> -> memref<128x128xf32, #tpu.memory_space<hbm>>
    %dma_wait3A_235 = arith.constant 0 : i32
    %dma_wait3A_236 = tpu.memref_slice %arg11[%mul3A_2, %dma_wait3A_235] : memref<4096x128xf32, #tpu.memory_space<hbm>> -> memref<128x128xf32, #tpu.memory_space<hbm>>
    %dma_wait3A_237 = arith.constant 0 : i32
    %dma_wait3A_238 = arith.constant 0 : i32
    %dma_wait3A_239 = tpu.memref_slice %arg14[%dma_wait3A_228, %dma_wait3A_237, %dma_wait3A_238] : memref<2x128x128xf32, #tpu.memory_space<vmem>> -> memref<1x128x128xf32, #tpu.memory_space<vmem>>
    %dma_wait3A_240 = tpu.memref_squeeze %dma_wait3A_239 : memref<1x128x128xf32, #tpu.memory_space<vmem>> -> memref<128x128xf32, #tpu.memory_space<vmem>>
    tpu.wait_dma2 semaphore(%arg18 : memref<!tpu.dma_semaphore, #tpu.memory_space<semaphore_mem>>) src(%dma_wait3A_240 : memref<128x128xf32, #tpu.memory_space<vmem>>) dst(%dma_wait3A_236 : memref<128x128xf32, #tpu.memory_space<hbm>>)
    return
  }
}

module attributes {stable_mosaic.version = 14 : i64} {
  func.func @_tc_body(%arg0: i32, %arg1: memref<6144x128xf32, #tpu.memory_space<vmem>>, %arg2: memref<6144x128xf32, #tpu.memory_space<vmem>>, %arg3: memref<6144x128xf32, #tpu.memory_space<vmem>>, %arg4: memref<6144x128xf32, #tpu.memory_space<vmem>>, %arg5: memref<1x128xf32, #tpu.memory_space<vmem>>, %arg6: memref<64x128xf32, #tpu.memory_space<vmem>>, %arg7: memref<64x128xf32, #tpu.memory_space<vmem>>, %arg8: memref<64x1xf32, #tpu.memory_space<vmem>>, %arg9: memref<32x64xf32, #tpu.memory_space<vmem>>, %arg10: memref<32x1xf32, #tpu.memory_space<vmem>>, %arg11: memref<16x32xf32, #tpu.memory_space<vmem>>, %arg12: memref<16x1xf32, #tpu.memory_space<vmem>>, %arg13: memref<8x16xf32, #tpu.memory_space<vmem>>, %arg14: memref<8x1xf32, #tpu.memory_space<vmem>>, %arg15: memref<1x8xf32, #tpu.memory_space<vmem>>, %arg16: memref<1x1xf32, #tpu.memory_space<vmem>>, %arg17: memref<6144xf32, #tpu.memory_space<vmem>>) attributes {dimension_semantics = [#tpu.dimension_semantics<arbitrary>], iteration_bounds = array<i64: 2>, scalar_prefetch = 0 : i64, scratch_operands = 0 : i64, tpu.core_type = #tpu.core_type<tc>, window_params = [{transform_indices = @transform_0, window_bounds = array<i64: 6144, 128>}, {transform_indices = @transform_1, window_bounds = array<i64: 6144, 128>}, {transform_indices = @transform_2, window_bounds = array<i64: 6144, 128>}, {transform_indices = @transform_3, window_bounds = array<i64: 6144, 128>}, {pipeline_mode = #tpu.pipeline_mode<synchronous>, transform_indices = @transform_4, window_bounds = array<i64: 1, 128>}, {pipeline_mode = #tpu.pipeline_mode<synchronous>, transform_indices = @transform_5, window_bounds = array<i64: 64, 128>}, {pipeline_mode = #tpu.pipeline_mode<synchronous>, transform_indices = @transform_6, window_bounds = array<i64: 64, 128>}, {pipeline_mode = #tpu.pipeline_mode<synchronous>, transform_indices = @transform_7, window_bounds = array<i64: 64, 1>}, {pipeline_mode = #tpu.pipeline_mode<synchronous>, transform_indices = @transform_8, window_bounds = array<i64: 32, 64>}, {pipeline_mode = #tpu.pipeline_mode<synchronous>, transform_indices = @transform_9, window_bounds = array<i64: 32, 1>}, {pipeline_mode = #tpu.pipeline_mode<synchronous>, transform_indices = @transform_10, window_bounds = array<i64: 16, 32>}, {pipeline_mode = #tpu.pipeline_mode<synchronous>, transform_indices = @transform_11, window_bounds = array<i64: 16, 1>}, {pipeline_mode = #tpu.pipeline_mode<synchronous>, transform_indices = @transform_12, window_bounds = array<i64: 8, 16>}, {pipeline_mode = #tpu.pipeline_mode<synchronous>, transform_indices = @transform_13, window_bounds = array<i64: 8, 1>}, {pipeline_mode = #tpu.pipeline_mode<synchronous>, transform_indices = @transform_14, window_bounds = array<i64: 1, 8>}, {pipeline_mode = #tpu.pipeline_mode<synchronous>, transform_indices = @transform_15, window_bounds = array<i64: 1, 1>}, {transform_indices = @transform_16, window_bounds = array<i64: 6144>}]} {
    %get3A = arith.constant 0 : index
    %get3A_0 = arith.constant 0 : index
    %get3A_1 = vector.load %arg6[%get3A, %get3A_0] : memref<64x128xf32, #tpu.memory_space<vmem>>, vector<64x128xf32>
    %get3A_2 = arith.constant 0 : index
    %get3A_3 = arith.constant 0 : index
    %get3A_4 = vector.load %arg3[%get3A_2, %get3A_3] : memref<6144x128xf32, #tpu.memory_space<vmem>>, vector<6144x128xf32>
    %dot_general3A = arith.constant dense<0.000000e+00> : vector<64x6144xf32>
    %dot_general3A_5 = tpu.matmul %get3A_1, %get3A_4, %dot_general3A {dimension_numbers = #tpu.dot_dimension_numbers<[1], [1], [0], [0], [0, 0, 1, 0], [], []>, transpose_lhs_hint = false} : vector<64x128xf32>, vector<6144x128xf32>, vector<64x6144xf32> -> vector<64x6144xf32>
    %get3A_6 = arith.constant 0 : index
    %get3A_7 = arith.constant 0 : index
    %get3A_8 = vector.load %arg7[%get3A_6, %get3A_7] : memref<64x128xf32, #tpu.memory_space<vmem>>, vector<64x128xf32>
    %get3A_9 = arith.constant 0 : index
    %get3A_10 = arith.constant 0 : index
    %get3A_11 = vector.load %arg4[%get3A_9, %get3A_10] : memref<6144x128xf32, #tpu.memory_space<vmem>>, vector<6144x128xf32>
    %dot_general3A_12 = arith.constant dense<0.000000e+00> : vector<64x6144xf32>
    %dot_general3A_13 = tpu.matmul %get3A_8, %get3A_11, %dot_general3A_12 {dimension_numbers = #tpu.dot_dimension_numbers<[1], [1], [0], [0], [0, 0, 1, 0], [], []>, transpose_lhs_hint = false} : vector<64x128xf32>, vector<6144x128xf32>, vector<64x6144xf32> -> vector<64x6144xf32>
    %add3A = arith.addf %dot_general3A_5, %dot_general3A_13 : vector<64x6144xf32>
    %get3A_14 = arith.constant 0 : index
    %get3A_15 = arith.constant 0 : index
    %get3A_16 = vector.load %arg8[%get3A_14, %get3A_15] : memref<64x1xf32, #tpu.memory_space<vmem>>, vector<64x1xf32>
    %add3A_17 = vector.broadcast %get3A_16 : vector<64x1xf32> to vector<64x6144xf32>
    %add3A_18 = arith.addf %add3A, %add3A_17 : vector<64x6144xf32>
    %max3A = arith.constant 0.000000e+00 : f32
    %max3A_19 = vector.broadcast %max3A : f32 to vector<64x6144xf32>
    %max3A_20 = arith.maximumf %add3A_18, %max3A_19 : vector<64x6144xf32>
    %get3A_21 = arith.constant 0 : index
    %get3A_22 = arith.constant 0 : index
    %get3A_23 = vector.load %arg9[%get3A_21, %get3A_22] : memref<32x64xf32, #tpu.memory_space<vmem>>, vector<32x64xf32>
    %dot_general3A_24 = arith.constant dense<0.000000e+00> : vector<32x6144xf32>
    %dot_general3A_25 = tpu.matmul %get3A_23, %max3A_20, %dot_general3A_24 {dimension_numbers = #tpu.dot_dimension_numbers<[1], [0], [0], [1], [0, 0, 1, 1], [], []>, transpose_lhs_hint = false} : vector<32x64xf32>, vector<64x6144xf32>, vector<32x6144xf32> -> vector<32x6144xf32>
    %get3A_26 = arith.constant 0 : index
    %get3A_27 = arith.constant 0 : index
    %get3A_28 = vector.load %arg10[%get3A_26, %get3A_27] : memref<32x1xf32, #tpu.memory_space<vmem>>, vector<32x1xf32>
    %add3A_29 = vector.broadcast %get3A_28 : vector<32x1xf32> to vector<32x6144xf32>
    %add3A_30 = arith.addf %dot_general3A_25, %add3A_29 : vector<32x6144xf32>
    %max3A_31 = arith.constant 0.000000e+00 : f32
    %max3A_32 = vector.broadcast %max3A_31 : f32 to vector<32x6144xf32>
    %max3A_33 = arith.maximumf %add3A_30, %max3A_32 : vector<32x6144xf32>
    %get3A_34 = arith.constant 0 : index
    %get3A_35 = arith.constant 0 : index
    %get3A_36 = vector.load %arg11[%get3A_34, %get3A_35] : memref<16x32xf32, #tpu.memory_space<vmem>>, vector<16x32xf32>
    %dot_general3A_37 = arith.constant dense<0.000000e+00> : vector<16x6144xf32>
    %dot_general3A_38 = tpu.matmul %get3A_36, %max3A_33, %dot_general3A_37 {dimension_numbers = #tpu.dot_dimension_numbers<[1], [0], [0], [1], [0, 0, 1, 1], [], []>, transpose_lhs_hint = false} : vector<16x32xf32>, vector<32x6144xf32>, vector<16x6144xf32> -> vector<16x6144xf32>
    %get3A_39 = arith.constant 0 : index
    %get3A_40 = arith.constant 0 : index
    %get3A_41 = vector.load %arg12[%get3A_39, %get3A_40] : memref<16x1xf32, #tpu.memory_space<vmem>>, vector<16x1xf32>
    %add3A_42 = vector.broadcast %get3A_41 : vector<16x1xf32> to vector<16x6144xf32>
    %add3A_43 = arith.addf %dot_general3A_38, %add3A_42 : vector<16x6144xf32>
    %max3A_44 = arith.constant 0.000000e+00 : f32
    %max3A_45 = vector.broadcast %max3A_44 : f32 to vector<16x6144xf32>
    %max3A_46 = arith.maximumf %add3A_43, %max3A_45 : vector<16x6144xf32>
    %get3A_47 = arith.constant 0 : index
    %get3A_48 = arith.constant 0 : index
    %get3A_49 = vector.load %arg13[%get3A_47, %get3A_48] : memref<8x16xf32, #tpu.memory_space<vmem>>, vector<8x16xf32>
    %dot_general3A_50 = arith.constant dense<0.000000e+00> : vector<8x6144xf32>
    %dot_general3A_51 = tpu.matmul %get3A_49, %max3A_46, %dot_general3A_50 {dimension_numbers = #tpu.dot_dimension_numbers<[1], [0], [0], [1], [0, 0, 1, 1], [], []>, transpose_lhs_hint = false} : vector<8x16xf32>, vector<16x6144xf32>, vector<8x6144xf32> -> vector<8x6144xf32>
    %get3A_52 = arith.constant 0 : index
    %get3A_53 = arith.constant 0 : index
    %get3A_54 = vector.load %arg14[%get3A_52, %get3A_53] : memref<8x1xf32, #tpu.memory_space<vmem>>, vector<8x1xf32>
    %add3A_55 = vector.broadcast %get3A_54 : vector<8x1xf32> to vector<8x6144xf32>
    %add3A_56 = arith.addf %dot_general3A_51, %add3A_55 : vector<8x6144xf32>
    %max3A_57 = arith.constant 0.000000e+00 : f32
    %max3A_58 = vector.broadcast %max3A_57 : f32 to vector<8x6144xf32>
    %max3A_59 = arith.maximumf %add3A_56, %max3A_58 : vector<8x6144xf32>
    %get3A_60 = arith.constant 0 : index
    %get3A_61 = arith.constant 0 : index
    %get3A_62 = vector.load %arg15[%get3A_60, %get3A_61] : memref<1x8xf32, #tpu.memory_space<vmem>>, vector<1x8xf32>
    %dot_general3A_63 = arith.constant dense<0.000000e+00> : vector<1x6144xf32>
    %dot_general3A_64 = tpu.matmul %get3A_62, %max3A_59, %dot_general3A_63 {dimension_numbers = #tpu.dot_dimension_numbers<[1], [0], [0], [1], [0, 0, 1, 1], [], []>, transpose_lhs_hint = false} : vector<1x8xf32>, vector<8x6144xf32>, vector<1x6144xf32> -> vector<1x6144xf32>
    %get3A_65 = arith.constant 0 : index
    %get3A_66 = arith.constant 0 : index
    %get3A_67 = vector.load %arg5[%get3A_65, %get3A_66] : memref<1x128xf32, #tpu.memory_space<vmem>>, vector<1x128xf32>
    %get3A_68 = arith.constant 0 : index
    %get3A_69 = arith.constant 0 : index
    %get3A_70 = vector.load %arg1[%get3A_68, %get3A_69] : memref<6144x128xf32, #tpu.memory_space<vmem>>, vector<6144x128xf32>
    %get3A_71 = arith.constant 0 : index
    %get3A_72 = arith.constant 0 : index
    %get3A_73 = vector.load %arg2[%get3A_71, %get3A_72] : memref<6144x128xf32, #tpu.memory_space<vmem>>, vector<6144x128xf32>
    %mul3A = arith.mulf %get3A_70, %get3A_73 : vector<6144x128xf32>
    %dot_general3A_74 = arith.constant dense<0.000000e+00> : vector<1x6144xf32>
    %dot_general3A_75 = tpu.matmul %get3A_67, %mul3A, %dot_general3A_74 {dimension_numbers = #tpu.dot_dimension_numbers<[1], [1], [0], [0], [0, 0, 1, 0], [], []>, transpose_lhs_hint = false} : vector<1x128xf32>, vector<6144x128xf32>, vector<1x6144xf32> -> vector<1x6144xf32>
    %add3A_76 = arith.addf %dot_general3A_64, %dot_general3A_75 : vector<1x6144xf32>
    %get3A_77 = arith.constant 0 : index
    %get3A_78 = arith.constant 0 : index
    %get3A_79 = vector.load %arg16[%get3A_77, %get3A_78] : memref<1x1xf32, #tpu.memory_space<vmem>>, vector<1x1xf32>
    %add3A_80 = vector.broadcast %get3A_79 : vector<1x1xf32> to vector<1x6144xf32>
    %add3A_81 = arith.addf %add3A_76, %add3A_80 : vector<1x6144xf32>
    %squeeze3A = vector.shape_cast %add3A_81 : vector<1x6144xf32> to vector<6144xf32>
    %swap3A = arith.constant 0 : index
    %swap3A_82 = vector.load %arg17[%swap3A] : memref<6144xf32, #tpu.memory_space<vmem>>, vector<6144xf32>
    tpu.vector_store %arg17[%swap3A], %squeeze3A {strides = array<i32>} : memref<6144xf32, #tpu.memory_space<vmem>>, vector<6144xf32>,
    return
  }
  func.func @transform_0(%arg0: i32) -> (i32, i32) {
    %c0_i32 = arith.constant 0 : i32
    %c0_i32_0 = arith.constant 0 : i32
    return %arg0, %c0_i32 : i32, i32
  }
  func.func @transform_1(%arg0: i32) -> (i32, i32) {
    %c0_i32 = arith.constant 0 : i32
    %c0_i32_0 = arith.constant 0 : i32
    return %arg0, %c0_i32 : i32, i32
  }
  func.func @transform_2(%arg0: i32) -> (i32, i32) {
    %c0_i32 = arith.constant 0 : i32
    %c0_i32_0 = arith.constant 0 : i32
    return %arg0, %c0_i32 : i32, i32
  }
  func.func @transform_3(%arg0: i32) -> (i32, i32) {
    %c0_i32 = arith.constant 0 : i32
    %c0_i32_0 = arith.constant 0 : i32
    return %arg0, %c0_i32 : i32, i32
  }
  func.func @transform_4(%arg0: i32) -> (i32, i32) {
    %c0_i32 = arith.constant 0 : i32
    %c0_i32_0 = arith.constant 0 : i32
    %c0_i32_1 = arith.constant 0 : i32
    return %c0_i32, %c0_i32_0 : i32, i32
  }
  func.func @transform_5(%arg0: i32) -> (i32, i32) {
    %c0_i32 = arith.constant 0 : i32
    %c0_i32_0 = arith.constant 0 : i32
    %c0_i32_1 = arith.constant 0 : i32
    return %c0_i32, %c0_i32_0 : i32, i32
  }
  func.func @transform_6(%arg0: i32) -> (i32, i32) {
    %c0_i32 = arith.constant 0 : i32
    %c0_i32_0 = arith.constant 0 : i32
    %c0_i32_1 = arith.constant 0 : i32
    return %c0_i32, %c0_i32_0 : i32, i32
  }
  func.func @transform_7(%arg0: i32) -> (i32, i32) {
    %c0_i32 = arith.constant 0 : i32
    %c0_i32_0 = arith.constant 0 : i32
    %c0_i32_1 = arith.constant 0 : i32
    return %c0_i32, %c0_i32_0 : i32, i32
  }
  func.func @transform_8(%arg0: i32) -> (i32, i32) {
    %c0_i32 = arith.constant 0 : i32
    %c0_i32_0 = arith.constant 0 : i32
    %c0_i32_1 = arith.constant 0 : i32
    return %c0_i32, %c0_i32_0 : i32, i32
  }
  func.func @transform_9(%arg0: i32) -> (i32, i32) {
    %c0_i32 = arith.constant 0 : i32
    %c0_i32_0 = arith.constant 0 : i32
    %c0_i32_1 = arith.constant 0 : i32
    return %c0_i32, %c0_i32_0 : i32, i32
  }
  func.func @transform_10(%arg0: i32) -> (i32, i32) {
    %c0_i32 = arith.constant 0 : i32
    %c0_i32_0 = arith.constant 0 : i32
    %c0_i32_1 = arith.constant 0 : i32
    return %c0_i32, %c0_i32_0 : i32, i32
  }
  func.func @transform_11(%arg0: i32) -> (i32, i32) {
    %c0_i32 = arith.constant 0 : i32
    %c0_i32_0 = arith.constant 0 : i32
    %c0_i32_1 = arith.constant 0 : i32
    return %c0_i32, %c0_i32_0 : i32, i32
  }
  func.func @transform_12(%arg0: i32) -> (i32, i32) {
    %c0_i32 = arith.constant 0 : i32
    %c0_i32_0 = arith.constant 0 : i32
    %c0_i32_1 = arith.constant 0 : i32
    return %c0_i32, %c0_i32_0 : i32, i32
  }
  func.func @transform_13(%arg0: i32) -> (i32, i32) {
    %c0_i32 = arith.constant 0 : i32
    %c0_i32_0 = arith.constant 0 : i32
    %c0_i32_1 = arith.constant 0 : i32
    return %c0_i32, %c0_i32_0 : i32, i32
  }
  func.func @transform_14(%arg0: i32) -> (i32, i32) {
    %c0_i32 = arith.constant 0 : i32
    %c0_i32_0 = arith.constant 0 : i32
    %c0_i32_1 = arith.constant 0 : i32
    return %c0_i32, %c0_i32_0 : i32, i32
  }
  func.func @transform_15(%arg0: i32) -> (i32, i32) {
    %c0_i32 = arith.constant 0 : i32
    %c0_i32_0 = arith.constant 0 : i32
    %c0_i32_1 = arith.constant 0 : i32
    return %c0_i32, %c0_i32_0 : i32, i32
  }
  func.func @transform_16(%arg0: i32) -> i32 {
    %c0_i32 = arith.constant 0 : i32
    return %arg0 : i32
  }
}

module attributes {stable_mosaic.version = 14 : i64} {
  func.func @_tc_body(%arg0: i32, %arg1: memref<4096x128xf32, #tpu.memory_space<vmem>>, %arg2: memref<4096x128xf32, #tpu.memory_space<vmem>>, %arg3: memref<4096x128xf32, #tpu.memory_space<vmem>>, %arg4: memref<4096x128xf32, #tpu.memory_space<vmem>>, %arg5: memref<1x128xf32, #tpu.memory_space<vmem>>, %arg6: memref<64x128xf32, #tpu.memory_space<vmem>>, %arg7: memref<64x128xf32, #tpu.memory_space<vmem>>, %arg8: memref<64x1xf32, #tpu.memory_space<vmem>>, %arg9: memref<32x64xf32, #tpu.memory_space<vmem>>, %arg10: memref<32x1xf32, #tpu.memory_space<vmem>>, %arg11: memref<16x32xf32, #tpu.memory_space<vmem>>, %arg12: memref<16x1xf32, #tpu.memory_space<vmem>>, %arg13: memref<8x16xf32, #tpu.memory_space<vmem>>, %arg14: memref<8x1xf32, #tpu.memory_space<vmem>>, %arg15: memref<1x8xf32, #tpu.memory_space<vmem>>, %arg16: memref<1x1xf32, #tpu.memory_space<vmem>>, %arg17: memref<4096xf32, #tpu.memory_space<vmem>>) attributes {dimension_semantics = [#tpu.dimension_semantics<arbitrary>], iteration_bounds = array<i64: 1>, scalar_prefetch = 0 : i64, scratch_operands = 0 : i64, tpu.core_type = #tpu.core_type<tc>, window_params = [{transform_indices = @transform_0, window_bounds = array<i64: 4096, 128>}, {transform_indices = @transform_1, window_bounds = array<i64: 4096, 128>}, {transform_indices = @transform_2, window_bounds = array<i64: 4096, 128>}, {transform_indices = @transform_3, window_bounds = array<i64: 4096, 128>}, {pipeline_mode = #tpu.pipeline_mode<synchronous>, transform_indices = @transform_4, window_bounds = array<i64: 1, 128>}, {pipeline_mode = #tpu.pipeline_mode<synchronous>, transform_indices = @transform_5, window_bounds = array<i64: 64, 128>}, {pipeline_mode = #tpu.pipeline_mode<synchronous>, transform_indices = @transform_6, window_bounds = array<i64: 64, 128>}, {pipeline_mode = #tpu.pipeline_mode<synchronous>, transform_indices = @transform_7, window_bounds = array<i64: 64, 1>}, {pipeline_mode = #tpu.pipeline_mode<synchronous>, transform_indices = @transform_8, window_bounds = array<i64: 32, 64>}, {pipeline_mode = #tpu.pipeline_mode<synchronous>, transform_indices = @transform_9, window_bounds = array<i64: 32, 1>}, {pipeline_mode = #tpu.pipeline_mode<synchronous>, transform_indices = @transform_10, window_bounds = array<i64: 16, 32>}, {pipeline_mode = #tpu.pipeline_mode<synchronous>, transform_indices = @transform_11, window_bounds = array<i64: 16, 1>}, {pipeline_mode = #tpu.pipeline_mode<synchronous>, transform_indices = @transform_12, window_bounds = array<i64: 8, 16>}, {pipeline_mode = #tpu.pipeline_mode<synchronous>, transform_indices = @transform_13, window_bounds = array<i64: 8, 1>}, {pipeline_mode = #tpu.pipeline_mode<synchronous>, transform_indices = @transform_14, window_bounds = array<i64: 1, 8>}, {pipeline_mode = #tpu.pipeline_mode<synchronous>, transform_indices = @transform_15, window_bounds = array<i64: 1, 1>}, {transform_indices = @transform_16, window_bounds = array<i64: 4096>}]} {
    %get3A = arith.constant 0 : index
    %get3A_0 = arith.constant 0 : index
    %get3A_1 = vector.load %arg6[%get3A, %get3A_0] : memref<64x128xf32, #tpu.memory_space<vmem>>, vector<64x128xf32>
    %get3A_2 = arith.constant 0 : index
    %get3A_3 = arith.constant 0 : index
    %get3A_4 = vector.load %arg3[%get3A_2, %get3A_3] : memref<4096x128xf32, #tpu.memory_space<vmem>>, vector<4096x128xf32>
    %dot_general3A = arith.constant dense<0.000000e+00> : vector<64x4096xf32>
    %dot_general3A_5 = tpu.matmul %get3A_1, %get3A_4, %dot_general3A {dimension_numbers = #tpu.dot_dimension_numbers<[1], [1], [0], [0], [0, 0, 1, 0], [], []>, transpose_lhs_hint = false} : vector<64x128xf32>, vector<4096x128xf32>, vector<64x4096xf32> -> vector<64x4096xf32>
    %get3A_6 = arith.constant 0 : index
    %get3A_7 = arith.constant 0 : index
    %get3A_8 = vector.load %arg7[%get3A_6, %get3A_7] : memref<64x128xf32, #tpu.memory_space<vmem>>, vector<64x128xf32>
    %get3A_9 = arith.constant 0 : index
    %get3A_10 = arith.constant 0 : index
    %get3A_11 = vector.load %arg4[%get3A_9, %get3A_10] : memref<4096x128xf32, #tpu.memory_space<vmem>>, vector<4096x128xf32>
    %dot_general3A_12 = arith.constant dense<0.000000e+00> : vector<64x4096xf32>
    %dot_general3A_13 = tpu.matmul %get3A_8, %get3A_11, %dot_general3A_12 {dimension_numbers = #tpu.dot_dimension_numbers<[1], [1], [0], [0], [0, 0, 1, 0], [], []>, transpose_lhs_hint = false} : vector<64x128xf32>, vector<4096x128xf32>, vector<64x4096xf32> -> vector<64x4096xf32>
    %add3A = arith.addf %dot_general3A_5, %dot_general3A_13 : vector<64x4096xf32>
    %get3A_14 = arith.constant 0 : index
    %get3A_15 = arith.constant 0 : index
    %get3A_16 = vector.load %arg8[%get3A_14, %get3A_15] : memref<64x1xf32, #tpu.memory_space<vmem>>, vector<64x1xf32>
    %add3A_17 = vector.broadcast %get3A_16 : vector<64x1xf32> to vector<64x4096xf32>
    %add3A_18 = arith.addf %add3A, %add3A_17 : vector<64x4096xf32>
    %max3A = arith.constant 0.000000e+00 : f32
    %max3A_19 = vector.broadcast %max3A : f32 to vector<64x4096xf32>
    %max3A_20 = arith.maximumf %add3A_18, %max3A_19 : vector<64x4096xf32>
    %get3A_21 = arith.constant 0 : index
    %get3A_22 = arith.constant 0 : index
    %get3A_23 = vector.load %arg9[%get3A_21, %get3A_22] : memref<32x64xf32, #tpu.memory_space<vmem>>, vector<32x64xf32>
    %dot_general3A_24 = arith.constant dense<0.000000e+00> : vector<32x4096xf32>
    %dot_general3A_25 = tpu.matmul %get3A_23, %max3A_20, %dot_general3A_24 {dimension_numbers = #tpu.dot_dimension_numbers<[1], [0], [0], [1], [0, 0, 1, 1], [], []>, transpose_lhs_hint = false} : vector<32x64xf32>, vector<64x4096xf32>, vector<32x4096xf32> -> vector<32x4096xf32>
    %get3A_26 = arith.constant 0 : index
    %get3A_27 = arith.constant 0 : index
    %get3A_28 = vector.load %arg10[%get3A_26, %get3A_27] : memref<32x1xf32, #tpu.memory_space<vmem>>, vector<32x1xf32>
    %add3A_29 = vector.broadcast %get3A_28 : vector<32x1xf32> to vector<32x4096xf32>
    %add3A_30 = arith.addf %dot_general3A_25, %add3A_29 : vector<32x4096xf32>
    %max3A_31 = arith.constant 0.000000e+00 : f32
    %max3A_32 = vector.broadcast %max3A_31 : f32 to vector<32x4096xf32>
    %max3A_33 = arith.maximumf %add3A_30, %max3A_32 : vector<32x4096xf32>
    %get3A_34 = arith.constant 0 : index
    %get3A_35 = arith.constant 0 : index
    %get3A_36 = vector.load %arg11[%get3A_34, %get3A_35] : memref<16x32xf32, #tpu.memory_space<vmem>>, vector<16x32xf32>
    %dot_general3A_37 = arith.constant dense<0.000000e+00> : vector<16x4096xf32>
    %dot_general3A_38 = tpu.matmul %get3A_36, %max3A_33, %dot_general3A_37 {dimension_numbers = #tpu.dot_dimension_numbers<[1], [0], [0], [1], [0, 0, 1, 1], [], []>, transpose_lhs_hint = false} : vector<16x32xf32>, vector<32x4096xf32>, vector<16x4096xf32> -> vector<16x4096xf32>
    %get3A_39 = arith.constant 0 : index
    %get3A_40 = arith.constant 0 : index
    %get3A_41 = vector.load %arg12[%get3A_39, %get3A_40] : memref<16x1xf32, #tpu.memory_space<vmem>>, vector<16x1xf32>
    %add3A_42 = vector.broadcast %get3A_41 : vector<16x1xf32> to vector<16x4096xf32>
    %add3A_43 = arith.addf %dot_general3A_38, %add3A_42 : vector<16x4096xf32>
    %max3A_44 = arith.constant 0.000000e+00 : f32
    %max3A_45 = vector.broadcast %max3A_44 : f32 to vector<16x4096xf32>
    %max3A_46 = arith.maximumf %add3A_43, %max3A_45 : vector<16x4096xf32>
    %get3A_47 = arith.constant 0 : index
    %get3A_48 = arith.constant 0 : index
    %get3A_49 = vector.load %arg13[%get3A_47, %get3A_48] : memref<8x16xf32, #tpu.memory_space<vmem>>, vector<8x16xf32>
    %dot_general3A_50 = arith.constant dense<0.000000e+00> : vector<8x4096xf32>
    %dot_general3A_51 = tpu.matmul %get3A_49, %max3A_46, %dot_general3A_50 {dimension_numbers = #tpu.dot_dimension_numbers<[1], [0], [0], [1], [0, 0, 1, 1], [], []>, transpose_lhs_hint = false} : vector<8x16xf32>, vector<16x4096xf32>, vector<8x4096xf32> -> vector<8x4096xf32>
    %get3A_52 = arith.constant 0 : index
    %get3A_53 = arith.constant 0 : index
    %get3A_54 = vector.load %arg14[%get3A_52, %get3A_53] : memref<8x1xf32, #tpu.memory_space<vmem>>, vector<8x1xf32>
    %add3A_55 = vector.broadcast %get3A_54 : vector<8x1xf32> to vector<8x4096xf32>
    %add3A_56 = arith.addf %dot_general3A_51, %add3A_55 : vector<8x4096xf32>
    %max3A_57 = arith.constant 0.000000e+00 : f32
    %max3A_58 = vector.broadcast %max3A_57 : f32 to vector<8x4096xf32>
    %max3A_59 = arith.maximumf %add3A_56, %max3A_58 : vector<8x4096xf32>
    %get3A_60 = arith.constant 0 : index
    %get3A_61 = arith.constant 0 : index
    %get3A_62 = vector.load %arg15[%get3A_60, %get3A_61] : memref<1x8xf32, #tpu.memory_space<vmem>>, vector<1x8xf32>
    %dot_general3A_63 = arith.constant dense<0.000000e+00> : vector<1x4096xf32>
    %dot_general3A_64 = tpu.matmul %get3A_62, %max3A_59, %dot_general3A_63 {dimension_numbers = #tpu.dot_dimension_numbers<[1], [0], [0], [1], [0, 0, 1, 1], [], []>, transpose_lhs_hint = false} : vector<1x8xf32>, vector<8x4096xf32>, vector<1x4096xf32> -> vector<1x4096xf32>
    %get3A_65 = arith.constant 0 : index
    %get3A_66 = arith.constant 0 : index
    %get3A_67 = vector.load %arg5[%get3A_65, %get3A_66] : memref<1x128xf32, #tpu.memory_space<vmem>>, vector<1x128xf32>
    %get3A_68 = arith.constant 0 : index
    %get3A_69 = arith.constant 0 : index
    %get3A_70 = vector.load %arg1[%get3A_68, %get3A_69] : memref<4096x128xf32, #tpu.memory_space<vmem>>, vector<4096x128xf32>
    %get3A_71 = arith.constant 0 : index
    %get3A_72 = arith.constant 0 : index
    %get3A_73 = vector.load %arg2[%get3A_71, %get3A_72] : memref<4096x128xf32, #tpu.memory_space<vmem>>, vector<4096x128xf32>
    %mul3A = arith.mulf %get3A_70, %get3A_73 : vector<4096x128xf32>
    %dot_general3A_74 = arith.constant dense<0.000000e+00> : vector<1x4096xf32>
    %dot_general3A_75 = tpu.matmul %get3A_67, %mul3A, %dot_general3A_74 {dimension_numbers = #tpu.dot_dimension_numbers<[1], [1], [0], [0], [0, 0, 1, 0], [], []>, transpose_lhs_hint = false} : vector<1x128xf32>, vector<4096x128xf32>, vector<1x4096xf32> -> vector<1x4096xf32>
    %add3A_76 = arith.addf %dot_general3A_64, %dot_general3A_75 : vector<1x4096xf32>
    %get3A_77 = arith.constant 0 : index
    %get3A_78 = arith.constant 0 : index
    %get3A_79 = vector.load %arg16[%get3A_77, %get3A_78] : memref<1x1xf32, #tpu.memory_space<vmem>>, vector<1x1xf32>
    %add3A_80 = vector.broadcast %get3A_79 : vector<1x1xf32> to vector<1x4096xf32>
    %add3A_81 = arith.addf %add3A_76, %add3A_80 : vector<1x4096xf32>
    %squeeze3A = vector.shape_cast %add3A_81 : vector<1x4096xf32> to vector<4096xf32>
    %swap3A = arith.constant 0 : index
    %swap3A_82 = vector.load %arg17[%swap3A] : memref<4096xf32, #tpu.memory_space<vmem>>, vector<4096xf32>
    tpu.vector_store %arg17[%swap3A], %squeeze3A {strides = array<i32>} : memref<4096xf32, #tpu.memory_space<vmem>>, vector<4096xf32>,
    return
  }
  func.func @transform_0(%arg0: i32) -> (i32, i32) {
    %c0_i32 = arith.constant 0 : i32
    %c0_i32_0 = arith.constant 0 : i32
    return %arg0, %c0_i32 : i32, i32
  }
  func.func @transform_1(%arg0: i32) -> (i32, i32) {
    %c0_i32 = arith.constant 0 : i32
    %c0_i32_0 = arith.constant 0 : i32
    return %arg0, %c0_i32 : i32, i32
  }
  func.func @transform_2(%arg0: i32) -> (i32, i32) {
    %c0_i32 = arith.constant 0 : i32
    %c0_i32_0 = arith.constant 0 : i32
    return %arg0, %c0_i32 : i32, i32
  }
  func.func @transform_3(%arg0: i32) -> (i32, i32) {
    %c0_i32 = arith.constant 0 : i32
    %c0_i32_0 = arith.constant 0 : i32
    return %arg0, %c0_i32 : i32, i32
  }
  func.func @transform_4(%arg0: i32) -> (i32, i32) {
    %c0_i32 = arith.constant 0 : i32
    %c0_i32_0 = arith.constant 0 : i32
    %c0_i32_1 = arith.constant 0 : i32
    return %c0_i32, %c0_i32_0 : i32, i32
  }
  func.func @transform_5(%arg0: i32) -> (i32, i32) {
    %c0_i32 = arith.constant 0 : i32
    %c0_i32_0 = arith.constant 0 : i32
    %c0_i32_1 = arith.constant 0 : i32
    return %c0_i32, %c0_i32_0 : i32, i32
  }
  func.func @transform_6(%arg0: i32) -> (i32, i32) {
    %c0_i32 = arith.constant 0 : i32
    %c0_i32_0 = arith.constant 0 : i32
    %c0_i32_1 = arith.constant 0 : i32
    return %c0_i32, %c0_i32_0 : i32, i32
  }
  func.func @transform_7(%arg0: i32) -> (i32, i32) {
    %c0_i32 = arith.constant 0 : i32
    %c0_i32_0 = arith.constant 0 : i32
    %c0_i32_1 = arith.constant 0 : i32
    return %c0_i32, %c0_i32_0 : i32, i32
  }
  func.func @transform_8(%arg0: i32) -> (i32, i32) {
    %c0_i32 = arith.constant 0 : i32
    %c0_i32_0 = arith.constant 0 : i32
    %c0_i32_1 = arith.constant 0 : i32
    return %c0_i32, %c0_i32_0 : i32, i32
  }
  func.func @transform_9(%arg0: i32) -> (i32, i32) {
    %c0_i32 = arith.constant 0 : i32
    %c0_i32_0 = arith.constant 0 : i32
    %c0_i32_1 = arith.constant 0 : i32
    return %c0_i32, %c0_i32_0 : i32, i32
  }
  func.func @transform_10(%arg0: i32) -> (i32, i32) {
    %c0_i32 = arith.constant 0 : i32
    %c0_i32_0 = arith.constant 0 : i32
    %c0_i32_1 = arith.constant 0 : i32
    return %c0_i32, %c0_i32_0 : i32, i32
  }
  func.func @transform_11(%arg0: i32) -> (i32, i32) {
    %c0_i32 = arith.constant 0 : i32
    %c0_i32_0 = arith.constant 0 : i32
    %c0_i32_1 = arith.constant 0 : i32
    return %c0_i32, %c0_i32_0 : i32, i32
  }
  func.func @transform_12(%arg0: i32) -> (i32, i32) {
    %c0_i32 = arith.constant 0 : i32
    %c0_i32_0 = arith.constant 0 : i32
    %c0_i32_1 = arith.constant 0 : i32
    return %c0_i32, %c0_i32_0 : i32, i32
  }
  func.func @transform_13(%arg0: i32) -> (i32, i32) {
    %c0_i32 = arith.constant 0 : i32
    %c0_i32_0 = arith.constant 0 : i32
    %c0_i32_1 = arith.constant 0 : i32
    return %c0_i32, %c0_i32_0 : i32, i32
  }
  func.func @transform_14(%arg0: i32) -> (i32, i32) {
    %c0_i32 = arith.constant 0 : i32
    %c0_i32_0 = arith.constant 0 : i32
    %c0_i32_1 = arith.constant 0 : i32
    return %c0_i32, %c0_i32_0 : i32, i32
  }
  func.func @transform_15(%arg0: i32) -> (i32, i32) {
    %c0_i32 = arith.constant 0 : i32
    %c0_i32_0 = arith.constant 0 : i32
    %c0_i32_1 = arith.constant 0 : i32
    return %c0_i32, %c0_i32_0 : i32, i32
  }
  func.func @transform_16(%arg0: i32) -> i32 {
    %c0_i32 = arith.constant 0 : i32
    return %arg0 : i32
  }
}

</mosaic_0001>

<sc_bundles>
// kernel: kernel.6.cloned.1.call-start
scs
__scs_entry_jumppad:
0x0: {  	(pc) =	sbr.rel $0x88, $3  }
0x1: {  	(tag) =	ssettag $0x0;
	lr =	simm.s32 $0x1  }
0x2: {  	[smem:$0x3F8E] =	sst lr;
	_ =	strace $0xD0000000  }
0x3: {  	_ = 	snop  }
0x4: {  	_ = 	snop  }
0x5: {  	_ = 	snop  }
0x6: {  	_ = 	snop  }
0x7: {  	_ = 	snop  }
__scs_overlays_trampoline_lowered:
0x8: {  	[smem:$0x3F9D] =	sst s0  }
0x9: {  	[smem:$0x3F9E] =	sst s1  }
0xa: {  	[smem:$0x3F9F] =	sst s2  }
0xb: {  	[smem:$0x3FA0] =	sst s3  }
0xc: {  	[smem:$0x3FA1] =	sst s4  }
0xd: {  	[smem:$0x3FA2] =	sst s5  }
0xe: {  	[smem:$0x3FA3] =	sst s6  }
0xf: {  	[smem:$0x3FA4] =	sst s7  }
0x10: {  	[smem:$0x3FA5] =	sst s8  }
0x11: {  	[smem:$0x3FA6] =	sst s9;
	s0 =	simm.s32 @!p0 $0x0  }
0x12: {  	s1 =	sld [smem:$0x3F8C];
	s0 =	simm.s32 @p0 $0x1  }
0x13: {  	[smem:$0x3FA7] =	sst s0;
	s0 =	simm.s32 @!p1 $0x0  }
0x14: {  	s2 =	sld [smem:$0x3F8B];
	s0 =	simm.s32 @p1 $0x1  }
0x15: {  	[smem:$0x3FA8] =	sst s0;
	s0 =	simm.s32 @!p2 $0x0  }
0x16: {  	s3 =	sld [smem:$0x3FDB];
	s0 =	simm.s32 @p2 $0x1  }
0x17: {  	s4 =	simm.s32 $0x1BF5;
	[smem:$0x3FAA] =	sst s0  }
0x18: {  	s0 =	sld [smem:$0x3F8D];
	_ =	swait.ge [sflag:s4], $0x0  }
0x19: {  	s7 =	sld [smem:$0x3F8E]  }
0x1a: {  	s8 =	sadd.s32 $0xFFFFE003, lr  }
0x1b: {  	s9 =	sadd.s32 $0xFFFFFEF7, lr;
	s5 =	simm.s32 $0xFFFFFFFF;
	p2 =	slt.u32 s8, $0xFFFFF086  }
0x1c: {  	p1 =	slt.u32 s9, $0xF7A;
	s5 =	simm.s32 @!p2 $0x0  }
0x1d: {  	s5 =	simm.s32 @p1 $0x1;
	p0 =	seq.s32 s7, s2  }
0x1e: {  	s7 =	smul.u32 @!p0 $0xF7A, s2;
	p2 =	seq.s32 @!p0 s5, $0x0  }
0x1f: {  	s9 =	smul.u32 $0xF7A, s1;
	s8 =	simm.s32 @!p0 $0x1BF5;
	p2 =	por !p2, p0  }
0x20: {  	[sflag:s8] =	ssyncset.s32 @!p0 $0xFFFFF086;
	s6 =	sadd.s32 @!p0 s3, s7;
	s7 =	simm.s32 @!p0 $0x108  }
0x21: {  	s3 =	sadd.s32 s3, s9;
	s6 =	sadd.s32 @!p0 $0x88, s6;
	s7 =	simm.s32 @p2 $0x1082  }
0x22: {  	[simem:s7], [sflag:s8] =	dma.local @!p0 [hbm:s6], $0xF7A  }
0x23: {  	s9 =	sor.u32 $0xD0000000, s2;
	s6 =	simm.s32 $0x108;
	_ =	swait.ge @!p0 [sflag:s8], $0x0  }
0x24: {  	s3 =	sadd.s32 $0x88, s3;
	s6 =	simm.s32 @!p1 $0x1082;
	[sflag:s4] =	ssyncset.s32 $0xFFFFF086  }
0x25: {  	[simem:s6], [sflag:s4] =	dma.local [hbm:s3], $0xF7A  }
0x26: {  	[smem:$0x3F8E] =	sst s1;
	(tag) =	ssettag s2;
	_ =	strace s9  }
0x27: {  	s1 =	sld [smem:$0x3F9E]  }
0x28: {  	s2 =	sld [smem:$0x3F9F]  }
0x29: {  	s4 =	sld [smem:$0x3FA1]  }
0x2a: {  	p0 =	seq.s32 s5, $0x0;
	s5 =	sld [smem:$0x3FA2]  }
0x2b: {  	s6 =	sld [smem:$0x3FA3]  }
0x2c: {  	s7 =	sld [smem:$0x3FA4]  }
0x2d: {  	s3 =	simm.s32 $0x108;
	s8 =	sld [smem:$0x3FA5]  }
0x2e: {  	s3 =	simm.s32 @!p0 $0x1082;
	s9 =	sld [smem:$0x3FA6]  }
0x2f: {  	lr =	sadd.s32 s0, s3;
	s0 =	sld [smem:$0x3F9D]  }
0x30: {  	s3 =	sld [smem:$0x3FA0]  }
0x31: {  	[smem:$0x3FA9] =	sst s10  }
0x32: {  	s10 =	sld [smem:$0x3FA7];
	_ =	sdelay $0x3  }
0x33: {  	p0 =	seq.s32 s10, $0x1;
	s10 =	sld [smem:$0x3FA9];
	_ =	sdelay $0x3  }
0x34: {  	[smem:$0x3FA9] =	sst s10  }
0x35: {  	s10 =	sld [smem:$0x3FA8];
	_ =	sdelay $0x3  }
0x36: {  	p1 =	seq.s32 s10, $0x1;
	s10 =	sld [smem:$0x3FA9];
	_ =	sdelay $0x3  }
0x37: {  	[smem:$0x3FA9] =	sst s10  }
0x38: {  	s10 =	sld [smem:$0x3FAA]  }
0x39: {  	_ = 	snop;
	(pc) =	sbr.ind lr, $3  }
0x3a: {  	_ = 	snop  }
0x3b: {  	_ = 	snop  }
0x3c: {  	p2 =	seq.s32 s10, $0x1;
	s10 =	sld [smem:$0x3FA9]  }
0x3d: {  	_ =	shalt  }
0x3e: {  	_ =	shalt  }
0x3f: {  	_ =	shalt  }
0x40: {  	_ =	shalt  }
0x41: {  	_ =	shalt  }
0x42: {  	_ =	shalt  }
0x43: {  	_ =	shalt  }
0x44: {  	_ =	shalt  }
0x45: {  	_ =	shalt  }
0x46: {  	_ =	shalt  }
0x47: {  	_ =	shalt  }
0x48: {  	_ =	shalt  }
0x49: {  	_ =	shalt  }
0x4a: {  	_ =	shalt  }
0x4b: {  	_ =	shalt  }
0x4c: {  	_ =	shalt  }
0x4d: {  	_ =	shalt  }
0x4e: {  	_ =	shalt  }
0x4f: {  	_ =	shalt  }
0x50: {  	_ =	shalt  }
0x51: {  	_ =	shalt  }
0x52: {  	_ =	shalt  }
0x53: {  	_ =	shalt  }
0x54: {  	_ =	shalt  }
0x55: {  	_ =	shalt  }
0x56: {  	_ =	shalt  }
0x57: {  	_ =	shalt  }
0x58: {  	_ =	shalt  }
0x59: {  	_ =	shalt  }
0x5a: {  	_ =	shalt  }
0x5b: {  	_ =	shalt  }
0x5c: {  	_ =	shalt  }
0x5d: {  	_ =	shalt  }
0x5e: {  	_ =	shalt  }
0x5f: {  	_ =	shalt  }
0x60: {  	_ =	shalt  }
0x61: {  	_ =	shalt  }
0x62: {  	_ =	shalt  }
0x63: {  	_ =	shalt  }
0x64: {  	_ =	shalt  }
0x65: {  	_ =	shalt  }
0x66: {  	_ =	shalt  }
0x67: {  	_ =	shalt  }
0x68: {  	_ =	shalt  }
0x69: {  	_ =	shalt  }
0x6a: {  	_ =	shalt  }
0x6b: {  	_ =	shalt  }
0x6c: {  	_ =	shalt  }
0x6d: {  	_ =	shalt  }
0x6e: {  	_ =	shalt  }
0x6f: {  	_ =	shalt  }
0x70: {  	_ =	shalt  }
0x71: {  	_ =	shalt  }
0x72: {  	_ =	shalt  }
0x73: {  	_ =	shalt  }
0x74: {  	_ =	shalt  }
0x75: {  	_ =	shalt  }
0x76: {  	_ =	shalt  }
0x77: {  	_ =	shalt  }
0x78: {  	_ =	shalt  }
0x79: {  	_ =	shalt  }
0x7a: {  	_ =	shalt  }
0x7b: {  	_ =	shalt  }
0x7c: {  	_ =	shalt  }
0x7d: {  	_ =	shalt  }
0x7e: {  	_ =	shalt  }
0x7f: {  	_ =	shalt  }
0x80: {  	_ =	shalt  }
0x81: {  	_ =	shalt  }
0x82: {  	_ =	shalt  }
0x83: {  	_ =	shalt  }
0x84: {  	_ =	shalt  }
0x85: {  	_ =	shalt  }
0x86: {  	_ =	shalt  }
0x87: {  	_ =	shalt  }
.Lfunc_end0:
.L_simem_size_0:
called_computation_lowered:
.L_overlay_start_0:
0x88: {  	s2 =	sld [smem:$0x3FD9]  }
0x89: {  	s3 =	sld [smem:$0x3FFE];
	_ =	sdelay $0x1  }
0x8a: {  	s1 =	srdreg.scid  }
0x8b: {  	s0 =	sand.u32 $0x1, s1  }
0x8c: {  	s17 =	sshll.u32 s0, $0xA;
	s2 =	sadd.s32 s3, s2  }
0x8d: {  	s2 =	sadd.s32 s2, s17  }
0x8e: {  	[smem:$0x3FB5] =	sst s2  }
0x8f: {  	_ = 	snop  }
0x90: {  	s2 =	sld [smem:$0x3FC8]  }
0x91: {  	s18 =	sld [smem:$0x3FC7]  }
0x92: {  	s4 =	sld [smem:$0x3FC6]  }
0x93: {  	s5 =	sld [smem:$0x3FC5]  }
0x94: {  	s6 =	sld [smem:$0x3FD0];
	(tm) =	ssettm $0x1  }
0x95: {  	s7 =	sld [smem:$0x3FFB];
	_ =	sdelay $0x3  }
0x96: {  	_ =	strace s7  }
0x97: {  	s7 =	sld [smem:$0x3FFC];
	_ =	sdelay $0x3  }
0x98: {  	_ =	strace s7  }
0x99: {  	s7 =	sld [smem:$0x3FFD];
	_ =	sdelay $0x3  }
0x9a: {  	_ =	strace s7  }
0x9b: {  	_ =	strace $0x8FFFFFFF  }
0x9c: {  	s19 =	sld [smem:$0x3FDB];
	_ =	sdelay $0x1  }
0x9d: {  	s8 =	simm.s32 $_scs_section_size  }
0x9e: {  	s9 =	simm.s32 $_size__tile_overlayer_lowered;
	s10 =	simm.s32 $_tile_overlayer_lowered  }
0x9f: {  	s22 =	simm.s32 $0x1BFF;
	s21 =	sshll.u32 s10, $0x1;
	s7 =	sadd.s32 s8, s19  }
0xa0: {  	s11 =	simm.s32 $0x0;
	s20 =	sshll.u32 s9, $0x1;
	s9 =	sadd.s32 s21, s7  }
0xa1: {  	[timem:s11], [sflag:s22] =	dma.local [hbm:s9], s20  }
0xa2: {  	_ =	swait.ge [sflag:s22], s20  }
0xa3: {  	s8 =	ssub.s32 $0x0, s20;
	[sflag:s22] =	ssyncset.done $0x0  }
0xa4: {  	[sflag:s22] =	ssyncadd.s32 s8;
	_ =	sdelay $0x1  }
0xa5: {  	s23 =	simm.s32 $0x1B8B  }
0xa6: {  	_ =	swait.ge [sflag:s23], $0x1  }
0xa7: {  	[sflag:s23] =	ssyncset.done $0x0  }
0xa8: {  	s25 =	simm.s32 $0x1B8E;
	s24 =	sld [smem:$0x3FFE];
	[sflag:s23] =	ssyncadd.s32 $0xFFFFFFFF  }
0xa9: {  	s26 =	simm.s32 $execute0_lowered;
	[smem:$0x3FD2] =	sst s25  }
0xaa: {  	s9 =	sshll.u32 s26, $0x1;
	_ =	strace $0x80000046;
	[dreg:$0x1] =	wrdreg $0xFFFFFFFF  }
0xab: {  	s28 =	simm.s32 $_size_execute0_lowered;
	s7 =	sadd.s32 s7, s9;
	[dreg:$0x0] =	wrdreg $0x0  }
0xac: {  	s9 =	sshll.u32 s28, $0x1;
	[dreg:$0x2] =	wrdreg s7  }
0xad: {  	[dreg:$0x3] =	wrdreg s9  }
0xae: {  	[dreg:$0x4] =	wrdreg $0xC0  }
0xaf: {  	_ =	task [dreg:s11], $0x5FFFF  }
0xb0: {  	[dreg:$0x1] =	wrdreg $0xFFFFFFFF  }
0xb1: {  	[dreg:$0x0] =	wrdreg $0x60  }
0xb2: {  	[dreg:$0x2] =	wrdreg s24  }
0xb3: {  	[dreg:$0x3] =	wrdreg s6  }
0xb4: {  	[dreg:$0x4] =	wrdreg s2  }
0xb5: {  	[dreg:$0x5] =	wrdreg s18  }
0xb6: {  	[dreg:$0x6] =	wrdreg s4  }
0xb7: {  	[dreg:$0x7] =	wrdreg s5  }
0xb8: {  	[dreg:$0x8] =	wrdreg $0x9  }
0xb9: {  	_ =	task.clear_ibuf [dreg:s11], $0x9FFFF;
	_ =	strace $0x90000046  }
0xba: {  	s29 =	simm.s32 $0x9;
	_ =	strace $0x80000048  }
0xbb: {  	_ =	swait.ge [sflag:s29], $0x1  }
0xbc: {  	[sflag:s29] =	ssyncadd.s32 $0xFFFFFFFF  }
0xbd: {  	_ =	strace $0x90000048  }
0xbe: {  	_ =	sfence  }
0xbf: {  	s30 =	sld [smem:$0x0];
	_ =	sdelay $0x2  }
0xc0: {  	s31 =	sshll.u32 s1, $0xD;
	s1 =	sshrl.u32 s1, $0x2  }
0xc1: {  	s3 =	sand.u32 $0x4000, s31;
	s1 =	sadd.s32 s1, s30  }
0xc2: {  	s0 =	sor.u32 s3, s0;
	s1 =	sshll.u32 s1, $0x11  }
0xc3: {  	s0 =	sor.u32 s1, s0  }
0xc4: {  	s0 =	sadd.s32 $0x8F2B, s0  }
0xc5: {  	[sflag:s0] =	ssyncadd.remote.s32 $0x1  }
0xc6: {  	_ =	sfence.sel $0xFFFF  }
0xc7: {  	[dreg:$0x0] =	wrdreg $0xFFFFFFFF;
	(pc) =	sbr.abs _section_cstart, $3  }
0xc8: {  	[dreg:$0x1] =	wrdreg $0xFFFFFFFF  }
0xc9: {  	_ =	task.clear_ibuf [dreg:s11], $0x2FFFF;
	_ =	strace $0x9FFFFFFF  }
0xca: {  	(tm) =	ssettm $0x7FFFFFFF  }
0xcb: {  	_ =	shalt  }
tec
execute0_lowered:
.L_overlay_start_1:
0x0: {  	(tag) =	ssettag $0x1  }
0x1: {  	s0 =	rddreg [dreg:$0x0]  }
0x2: {  	s1 =	rddreg [dreg:$0x1]  }
0x3: {  	s12 =	rddreg [dreg:$0x2]  }
0x4: {  	s10 =	rddreg [dreg:$0x3]  }
0x5: {  	s5 =	rddreg [dreg:$0x4];
	s2 =	srdreg.scid  }
0x6: {  	s6 =	stileid.u32;
	s3 =	rddreg [dreg:$0x5];
	s16 =	simm.s32 $0x200  }
0x7: {  	s14 =	simm.s32 $0x80;
	s23 =	simm.s32 $0x100;
	s28 =	simm.s32 $0x5  }
0x8: {  	s26 =	simm.s32 $0x6;
	s11 =	simm.s32 $0x400;
	s24 =	simm.s32 $0x4400  }
0x9: {  	s25 =	simm.s32 $0x8400;
	s4 =	sand.u32 $0x1, s2;
	s6 =	sshll.u32 s6, $0x1  }
0xa: {  	p0 =	por $0x0, $0x0;
	s13 =	simm.s32 $0x2;
	s6 =	sor.u32 s4, s6  }
0xb: {  	s2 =	simm.s32 $0x0;
	s4 =	ssub.s32 $0x2, s4;
	s7 =	smul.u32 $0x180, s6  }
0xc: {  	[smem:$0x7FF] =	sst s2;
	s6 =	smul.u32 $0x1800, s6;
	s9 =	sshrl.u32 s4, $0x1  }
0xd: {  	s8 =	sadd.s32 $0x3E00, s0;
	_ =	strace $0x80000047;
	s9 =	ssub.s32 s4, s9  }
0xe: {  	s7 =	sshrl.u32 s7, $0x3;
	s0 =	sadd.s32 s6, s0;
	s21 =	smax.u32 s9, $0x1  }
0xf: {  	s9 =	simm.s32 $0x3;
	s17 =	sadd.s32 s8, s7;
	s18 =	sadd.s32 s1, s7  }
0x10: {  	s19 =	sadd.s32 $0x10, s7;
	s7 =	sadd.s32 $0x20, s7;
	s22 =	sadd.s32 $0x4400, s0  }
0x11: {  	s15 =	sadd.s32 $0x34400, s0;
	s6 =	sadd.s32 $0x64400, s0;
	[dreg:$0x7] =	wrdreg s17  }
0x12: {  	s4 =	sadd.s32 $0x94400, s0;
	p1 =	sne.s32 s21, $0x1;
	[dreg:$0x8] =	wrdreg s18  }
.Ltmp0:
0x13: {  	s20 =	sadd.s32 s8, s19;
	s29 =	sadd.s32 s1, s19;
	(pc) =	sbr.rel @!p1 .LBB2_3-.Ltmp0, $4  }
0x14: {  	s30 =	sadd.s32 s8, s7;
	s31 =	sadd.s32 s1, s7;
	s17 =	simm.s32 $0x280  }
0x15: {  	s18 =	simm.s32 $0x300;
	s7 =	simm.s32 $0xC400;
	s1 =	sadd.s32 $0xFFFFFFFF, s21  }
0x16: {  	s21 =	simm.s32 $0x14400;
	s19 =	simm.s32 $0x1;
	[dreg:$0x9] =	wrdreg s20  }
0x17: {  	s8 =	simm.s32 $0x4;
	s20 =	simm.s32 $0x10400;
	s0 =	rddreg [dreg:$0x7]  }
0x18: {  	[dreg:$0xa] =	wrdreg s1  }
0x19: {  	[tilespmem:s2], [sflag:$0x5] =	stream.linear.gather [hbm4b:s0+s2], $0x80, $0x38;
	[tilespmem:$0x18400] =	vst v63  }
0x1a: {  	s1 =	rddreg [dreg:$0x8]  }
0x1b: {  	[tilespmem:s16], [sflag:$0x6] =	stream.linear.gather [hbm4b:s1+s2], $0x80, $0x38;
	[tilespmem:$0x18400] =	vst v63  }
0x1c: {  	s0 =	rddreg [dreg:$0x9]  }
0x1d: {  	[tilespmem:s14], [sflag:$0x5] =	stream.linear.gather [hbm4b:s0+s2], $0x80, $0x38;
	[tilespmem:$0x18400] =	vst v63  }
0x1e: {  	_ = 	snop  }
0x1f: {  	[tilespmem:s17], [sflag:$0x6] =	stream.linear.gather [hbm4b:s29+s2], $0x80, $0x38;
	[tilespmem:$0x18400] =	vst v63  }
0x20: {  	_ = 	snop  }
0x21: {  	[tilespmem:s23], [sflag:$0x5] =	stream.linear.gather [hbm4b:s30+s2], $0x80, $0x38;
	[tilespmem:$0x18400] =	vst v63  }
0x22: {  	_ = 	snop  }
0x23: {  	[tilespmem:s18], [sflag:$0x6] =	stream.linear.gather [hbm4b:s31+s2], $0x80, $0x38;
	[tilespmem:$0x18400] =	vst v63  }
0x24: {  	_ =	swait.ge [sflag:s28], $0x80  }
0x25: {  	[sflag:s28] =	ssyncset.done $0x0  }
0x26: {  	[sflag:s28] =	ssyncadd.s32 $0xFFFFFF80  }
0x27: {  	_ =	swait.ge [sflag:s26], $0x80  }
0x28: {  	[sflag:s26] =	ssyncset.done $0x0  }
0x29: {  	[sflag:s26] =	ssyncadd.s32 $0xFFFFFF80  }
0x2a: {  	_ =	swait.ge [sflag:s28], $0x80  }
0x2b: {  	[sflag:s28] =	ssyncset.done $0x0  }
0x2c: {  	[sflag:s28] =	ssyncadd.s32 $0xFFFFFF80  }
0x2d: {  	_ =	swait.ge [sflag:s26], $0x80  }
0x2e: {  	[sflag:s26] =	ssyncset.done $0x0  }
0x2f: {  	[sflag:s26] =	ssyncadd.s32 $0xFFFFFF80  }
0x30: {  	_ =	swait.ge [sflag:s28], $0x80  }
0x31: {  	[sflag:s28] =	ssyncset.done $0x0  }
0x32: {  	[sflag:s28] =	ssyncadd.s32 $0xFFFFFF80  }
0x33: {  	_ =	swait.ge [sflag:s26], $0x80  }
0x34: {  	[sflag:s26] =	ssyncset.done $0x0  }
0x35: {  	[sflag:s26] =	ssyncadd.s32 $0xFFFFFF80  }
0x36: {  	[tilespmem:s11], [sflag:$0x1] =	stream.indirect.gather [hbm4b:s12+s14], $0x80, s2, s14, $0xb8;
	[tilespmem:$0x18400] =	vst v63  }
0x37: {  	_ = 	snop  }
0x38: {  	[tilespmem:s24], [sflag:$0x1] =	stream.indirect.gather [hbm4b:s12+s14], $0x80, s14, s14, $0xb8;
	[tilespmem:$0x18400] =	vst v63  }
0x39: {  	_ = 	snop  }
0x3a: {  	[tilespmem:s25], [sflag:$0x1] =	stream.indirect.gather [hbm4b:s12+s14], $0x80, s23, s14, $0xb8;
	[tilespmem:$0x18400] =	vst v63  }
0x3b: {  	_ = 	snop  }
0x3c: {  	[tilespmem:s7], [sflag:$0x2] =	stream.indirect.gather [hbm4b:s10+s14], $0x80, s16, s14, $0xb8;
	[tilespmem:$0x18400] =	vst v63  }
0x3d: {  	_ = 	snop  }
0x3e: {  	[tilespmem:s20], [sflag:$0x2] =	stream.indirect.gather [hbm4b:s10+s14], $0x80, s17, s14, $0xb8;
	[tilespmem:$0x18400] =	vst v63  }
0x3f: {  	_ = 	snop  }
0x40: {  	[tilespmem:s21], [sflag:$0x2] =	stream.indirect.gather [hbm4b:s10+s14], $0x80, s18, s14, $0xb8;
	[tilespmem:$0x18400] =	vst v63  }
0x41: {  	_ =	swait.ge [sflag:s19], $0x4000  }
0x42: {  	[sflag:s19] =	ssyncset.done $0x0  }
0x43: {  	[sflag:s19] =	ssyncadd.s32 $0xFFFFC000  }
0x44: {  	_ =	swait.ge [sflag:s19], $0x4000  }
0x45: {  	[sflag:s19] =	ssyncset.done $0x0  }
0x46: {  	[sflag:s19] =	ssyncadd.s32 $0xFFFFC000  }
0x47: {  	_ =	swait.ge [sflag:s19], $0x4000  }
0x48: {  	[sflag:s19] =	ssyncset.done $0x0  }
0x49: {  	[sflag:s19] =	ssyncadd.s32 $0xFFFFC000  }
0x4a: {  	[hbm4b:s22+s2] =	stream.linear.scatter [tilespmem:s11], [sflag:$0x3], $0xC000, $0x38;
	[tilespmem:$0x18400] =	vst v63  }
0x4b: {  	_ =	swait.ge [sflag:s9], $0xC000  }
0x4c: {  	[sflag:s9] =	ssyncset.done $0x0  }
0x4d: {  	[sflag:s9] =	ssyncadd.s32 $0xFFFF4000  }
0x4e: {  	[tilespmem:s11], [sflag:$0x1] =	stream.indirect.gather [hbm4b:s5+s14], $0x80, s2, s14, $0xb8;
	[tilespmem:$0x18400] =	vst v63  }
0x4f: {  	_ = 	snop  }
0x50: {  	[tilespmem:s24], [sflag:$0x1] =	stream.indirect.gather [hbm4b:s5+s14], $0x80, s14, s14, $0xb8;
	[tilespmem:$0x18400] =	vst v63  }
0x51: {  	_ = 	snop  }
0x52: {  	[tilespmem:s25], [sflag:$0x1] =	stream.indirect.gather [hbm4b:s5+s14], $0x80, s23, s14, $0xb8;
	[tilespmem:$0x18400] =	vst v63  }
0x53: {  	_ =	swait.ge [sflag:s13], $0x4000  }
0x54: {  	[sflag:s13] =	ssyncset.done $0x0  }
0x55: {  	[sflag:s13] =	ssyncadd.s32 $0xFFFFC000  }
0x56: {  	_ =	swait.ge [sflag:s13], $0x4000  }
0x57: {  	[sflag:s13] =	ssyncset.done $0x0  }
0x58: {  	[sflag:s13] =	ssyncadd.s32 $0xFFFFC000  }
0x59: {  	_ =	swait.ge [sflag:s13], $0x4000  }
0x5a: {  	[sflag:s13] =	ssyncset.done $0x0  }
0x5b: {  	[sflag:s13] =	ssyncadd.s32 $0xFFFFC000  }
0x5c: {  	[hbm4b:s15+s2] =	stream.linear.scatter [tilespmem:s7], [sflag:$0x4], $0xC000, $0x38;
	[tilespmem:$0x18400] =	vst v63  }
0x5d: {  	_ =	swait.ge [sflag:s8], $0xC000  }
0x5e: {  	[sflag:s8] =	ssyncset.done $0x0  }
0x5f: {  	[sflag:s8] =	ssyncadd.s32 $0xFFFF4000  }
0x60: {  	[tilespmem:s7], [sflag:$0x2] =	stream.indirect.gather [hbm4b:s3+s14], $0x80, s16, s14, $0xb8;
	[tilespmem:$0x18400] =	vst v63  }
0x61: {  	_ = 	snop  }
0x62: {  	[tilespmem:s20], [sflag:$0x2] =	stream.indirect.gather [hbm4b:s3+s14], $0x80, s17, s14, $0xb8;
	[tilespmem:$0x18400] =	vst v63  }
0x63: {  	_ = 	snop  }
0x64: {  	[tilespmem:s21], [sflag:$0x2] =	stream.indirect.gather [hbm4b:s3+s14], $0x80, s18, s14, $0xb8;
	[tilespmem:$0x18400] =	vst v63  }
0x65: {  	_ =	swait.ge [sflag:s19], $0x4000  }
0x66: {  	[sflag:s19] =	ssyncset.done $0x0  }
0x67: {  	[sflag:s19] =	ssyncadd.s32 $0xFFFFC000  }
0x68: {  	_ =	swait.ge [sflag:s19], $0x4000  }
0x69: {  	[sflag:s19] =	ssyncset.done $0x0  }
0x6a: {  	[sflag:s19] =	ssyncadd.s32 $0xFFFFC000  }
0x6b: {  	_ =	swait.ge [sflag:s19], $0x4000  }
0x6c: {  	[sflag:s19] =	ssyncset.done $0x0  }
0x6d: {  	[sflag:s19] =	ssyncadd.s32 $0xFFFFC000  }
0x6e: {  	[hbm4b:s6+s2] =	stream.linear.scatter [tilespmem:s11], [sflag:$0x3], $0xC000, $0x38;
	[tilespmem:$0x18400] =	vst v63  }
0x6f: {  	_ =	swait.ge [sflag:s13], $0x4000  }
0x70: {  	[sflag:s13] =	ssyncset.done $0x0  }
0x71: {  	[sflag:s13] =	ssyncadd.s32 $0xFFFFC000  }
0x72: {  	_ =	swait.ge [sflag:s13], $0x4000  }
0x73: {  	[sflag:s13] =	ssyncset.done $0x0  }
0x74: {  	[sflag:s13] =	ssyncadd.s32 $0xFFFFC000  }
0x75: {  	_ =	swait.ge [sflag:s13], $0x4000  }
0x76: {  	[sflag:s13] =	ssyncset.done $0x0  }
0x77: {  	[sflag:s13] =	ssyncadd.s32 $0xFFFFC000  }
0x78: {  	[hbm4b:s4+s2] =	stream.linear.scatter [tilespmem:s7], [sflag:$0x4], $0xC000, $0x38;
	[tilespmem:$0x18400] =	vst v63  }
0x79: {  	_ =	swait.ge [sflag:s9], $0xC000  }
0x7a: {  	s1 =	rddreg [dreg:$0xa]  }
0x7b: {  	p1 =	sne.s32 s1, $0x1  }
.Ltmp1:
0x7c: {  	_ = 	snop;
	(pc) =	sbr.rel @!p1 .LBB2_3-.Ltmp1, $4  }
0x7d: {  	[sflag:s9] =	ssyncset.done $0x0  }
0x7e: {  	[sflag:s9] =	ssyncadd.s32 $0xFFFF4000  }
0x7f: {  	p0 =	por $0x1, $0x1;
	_ =	swait.ge [sflag:s8], $0xC000  }
0x80: {  	s1 =	sadd.s32 $0xFFFFFFFF, s1;
	s0 =	rddreg [dreg:$0x7];
	[sflag:s8] =	ssyncset.done $0x0  }
.LBB2_2:
0x81: {  	[sflag:s8] =	ssyncadd.s32 $0xFFFF4000;
	s20 =	smov.u32 s15  }
0x82: {  	[tilespmem:s2], [sflag:$0x5] =	stream.linear.gather [hbm4b:s0+s2], $0x80, $0x38;
	[tilespmem:$0x18400] =	vst v63  }
0x83: {  	s15 =	smov.u32 s6;
	s6 =	smov.u32 s4;
	s4 =	rddreg [dreg:$0x8]  }
0x84: {  	[tilespmem:s16], [sflag:$0x6] =	stream.linear.gather [hbm4b:s4+s2], $0x80, $0x38;
	[tilespmem:$0x18400] =	vst v63  }
0x85: {  	s0 =	rddreg [dreg:$0x9]  }
0x86: {  	[tilespmem:s14], [sflag:$0x5] =	stream.linear.gather [hbm4b:s0+s2], $0x80, $0x38;
	[tilespmem:$0x18400] =	vst v63  }
0x87: {  	_ = 	snop  }
0x88: {  	[tilespmem:s17], [sflag:$0x6] =	stream.linear.gather [hbm4b:s29+s2], $0x80, $0x38;
	[tilespmem:$0x18400] =	vst v63  }
0x89: {  	_ = 	snop  }
0x8a: {  	[tilespmem:s23], [sflag:$0x5] =	stream.linear.gather [hbm4b:s30+s2], $0x80, $0x38;
	[tilespmem:$0x18400] =	vst v63  }
0x8b: {  	_ = 	snop  }
0x8c: {  	[tilespmem:s18], [sflag:$0x6] =	stream.linear.gather [hbm4b:s31+s2], $0x80, $0x38;
	[tilespmem:$0x18400] =	vst v63  }
0x8d: {  	_ =	swait.ge [sflag:s28], $0x80  }
0x8e: {  	[sflag:s28] =	ssyncset.done $0x0  }
0x8f: {  	[sflag:s28] =	ssyncadd.s32 $0xFFFFFF80  }
0x90: {  	_ =	swait.ge [sflag:s26], $0x80  }
0x91: {  	[sflag:s26] =	ssyncset.done $0x0  }
0x92: {  	[sflag:s26] =	ssyncadd.s32 $0xFFFFFF80  }
0x93: {  	_ =	swait.ge [sflag:s28], $0x80  }
0x94: {  	[sflag:s28] =	ssyncset.done $0x0  }
0x95: {  	[sflag:s28] =	ssyncadd.s32 $0xFFFFFF80  }
0x96: {  	_ =	swait.ge [sflag:s26], $0x80  }
0x97: {  	[sflag:s26] =	ssyncset.done $0x0  }
0x98: {  	[sflag:s26] =	ssyncadd.s32 $0xFFFFFF80  }
0x99: {  	_ =	swait.ge [sflag:s28], $0x80  }
0x9a: {  	[sflag:s28] =	ssyncset.done $0x0  }
0x9b: {  	[sflag:s28] =	ssyncadd.s32 $0xFFFFFF80  }
0x9c: {  	_ =	swait.ge [sflag:s26], $0x80  }
0x9d: {  	[sflag:s26] =	ssyncset.done $0x0  }
0x9e: {  	[sflag:s26] =	ssyncadd.s32 $0xFFFFFF80  }
0x9f: {  	[tilespmem:s11], [sflag:$0x1] =	stream.indirect.gather [hbm4b:s12+s14], $0x80, s2, s14, $0xb8;
	[tilespmem:$0x18400] =	vst v63  }
0xa0: {  	_ = 	snop  }
0xa1: {  	[tilespmem:s24], [sflag:$0x1] =	stream.indirect.gather [hbm4b:s12+s14], $0x80, s14, s14, $0xb8;
	[tilespmem:$0x18400] =	vst v63  }
0xa2: {  	_ = 	snop  }
0xa3: {  	[tilespmem:s25], [sflag:$0x1] =	stream.indirect.gather [hbm4b:s12+s14], $0x80, s23, s14, $0xb8;
	[tilespmem:$0x18400] =	vst v63  }
0xa4: {  	s4 =	smov.u32 s6  }
0xa5: {  	[tilespmem:s7], [sflag:$0x2] =	stream.indirect.gather [hbm4b:s10+s14], $0x80, s16, s14, $0xb8;
	[tilespmem:$0x18400] =	vst v63  }
0xa6: {  	s6 =	smov.u32 s15;
	s15 =	smov.u32 s20;
	s20 =	simm.s32 $0x10400  }
0xa7: {  	[tilespmem:s20], [sflag:$0x2] =	stream.indirect.gather [hbm4b:s10+s14], $0x80, s17, s14, $0xb8;
	[tilespmem:$0x18400] =	vst v63  }
0xa8: {  	_ = 	snop  }
0xa9: {  	[tilespmem:s21], [sflag:$0x2] =	stream.indirect.gather [hbm4b:s10+s14], $0x80, s18, s14, $0xb8;
	[tilespmem:$0x18400] =	vst v63  }
0xaa: {  	_ =	swait.ge [sflag:s19], $0x4000  }
0xab: {  	[sflag:s19] =	ssyncset.done $0x0  }
0xac: {  	[sflag:s19] =	ssyncadd.s32 $0xFFFFC000  }
0xad: {  	_ =	swait.ge [sflag:s19], $0x4000  }
0xae: {  	[sflag:s19] =	ssyncset.done $0x0  }
0xaf: {  	[sflag:s19] =	ssyncadd.s32 $0xFFFFC000  }
0xb0: {  	_ =	swait.ge [sflag:s19], $0x4000  }
0xb1: {  	[sflag:s19] =	ssyncset.done $0x0  }
0xb2: {  	[sflag:s19] =	ssyncadd.s32 $0xFFFFC000  }
0xb3: {  	[hbm4b:s22+s2] =	stream.linear.scatter [tilespmem:s11], [sflag:$0x3], $0xC000, $0x38;
	[tilespmem:$0x18400] =	vst v63  }
0xb4: {  	_ =	swait.ge [sflag:s9], $0xC000  }
0xb5: {  	[sflag:s9] =	ssyncset.done $0x0  }
0xb6: {  	[sflag:s9] =	ssyncadd.s32 $0xFFFF4000  }
0xb7: {  	[tilespmem:s11], [sflag:$0x1] =	stream.indirect.gather [hbm4b:s5+s14], $0x80, s2, s14, $0xb8;
	[tilespmem:$0x18400] =	vst v63  }
0xb8: {  	_ = 	snop  }
0xb9: {  	[tilespmem:s24], [sflag:$0x1] =	stream.indirect.gather [hbm4b:s5+s14], $0x80, s14, s14, $0xb8;
	[tilespmem:$0x18400] =	vst v63  }
0xba: {  	_ = 	snop  }
0xbb: {  	[tilespmem:s25], [sflag:$0x1] =	stream.indirect.gather [hbm4b:s5+s14], $0x80, s23, s14, $0xb8;
	[tilespmem:$0x18400] =	vst v63  }
0xbc: {  	_ =	swait.ge [sflag:s13], $0x4000  }
0xbd: {  	[sflag:s13] =	ssyncset.done $0x0  }
0xbe: {  	[sflag:s13] =	ssyncadd.s32 $0xFFFFC000  }
0xbf: {  	_ =	swait.ge [sflag:s13], $0x4000  }
0xc0: {  	[sflag:s13] =	ssyncset.done $0x0  }
0xc1: {  	[sflag:s13] =	ssyncadd.s32 $0xFFFFC000  }
0xc2: {  	_ =	swait.ge [sflag:s13], $0x4000  }
0xc3: {  	[sflag:s13] =	ssyncset.done $0x0  }
0xc4: {  	[sflag:s13] =	ssyncadd.s32 $0xFFFFC000  }
0xc5: {  	[hbm4b:s15+s2] =	stream.linear.scatter [tilespmem:s7], [sflag:$0x4], $0xC000, $0x38;
	[tilespmem:$0x18400] =	vst v63  }
0xc6: {  	_ =	swait.ge [sflag:s8], $0xC000  }
0xc7: {  	[sflag:s8] =	ssyncset.done $0x0  }
0xc8: {  	[sflag:s8] =	ssyncadd.s32 $0xFFFF4000  }
0xc9: {  	[tilespmem:s7], [sflag:$0x2] =	stream.indirect.gather [hbm4b:s3+s14], $0x80, s16, s14, $0xb8;
	[tilespmem:$0x18400] =	vst v63  }
0xca: {  	_ = 	snop  }
0xcb: {  	[tilespmem:s20], [sflag:$0x2] =	stream.indirect.gather [hbm4b:s3+s14], $0x80, s17, s14, $0xb8;
	[tilespmem:$0x18400] =	vst v63  }
0xcc: {  	_ = 	snop  }
0xcd: {  	[tilespmem:s21], [sflag:$0x2] =	stream.indirect.gather [hbm4b:s3+s14], $0x80, s18, s14, $0xb8;
	[tilespmem:$0x18400] =	vst v63  }
0xce: {  	_ =	swait.ge [sflag:s19], $0x4000  }
0xcf: {  	[sflag:s19] =	ssyncset.done $0x0  }
0xd0: {  	[sflag:s19] =	ssyncadd.s32 $0xFFFFC000  }
0xd1: {  	_ =	swait.ge [sflag:s19], $0x4000  }
0xd2: {  	[sflag:s19] =	ssyncset.done $0x0  }
0xd3: {  	[sflag:s19] =	ssyncadd.s32 $0xFFFFC000  }
0xd4: {  	_ =	swait.ge [sflag:s19], $0x4000  }
0xd5: {  	[sflag:s19] =	ssyncset.done $0x0  }
0xd6: {  	[sflag:s19] =	ssyncadd.s32 $0xFFFFC000  }
0xd7: {  	[hbm4b:s6+s2] =	stream.linear.scatter [tilespmem:s11], [sflag:$0x3], $0xC000, $0x38;
	[tilespmem:$0x18400] =	vst v63  }
0xd8: {  	_ =	swait.ge [sflag:s13], $0x4000  }
0xd9: {  	[sflag:s13] =	ssyncset.done $0x0  }
0xda: {  	[sflag:s13] =	ssyncadd.s32 $0xFFFFC000  }
0xdb: {  	_ =	swait.ge [sflag:s13], $0x4000  }
0xdc: {  	[sflag:s13] =	ssyncset.done $0x0  }
0xdd: {  	[sflag:s13] =	ssyncadd.s32 $0xFFFFC000  }
0xde: {  	_ =	swait.ge [sflag:s13], $0x4000  }
0xdf: {  	[sflag:s13] =	ssyncset.done $0x0  }
0xe0: {  	p1 =	sne.s32 s1, $0x1;
	[sflag:s13] =	ssyncadd.s32 $0xFFFFC000  }
0xe1: {  	[hbm4b:s4+s2] =	stream.linear.scatter [tilespmem:s7], [sflag:$0x4], $0xC000, $0x38;
	[tilespmem:$0x18400] =	vst v63  }
.Ltmp2:
0xe2: {  	_ =	swait.ge [sflag:s9], $0xC000;
	(pc) =	sbr.rel @p1 .LBB2_2-.Ltmp2, $4  }
0xe3: {  	[sflag:s9] =	ssyncset.done $0x0  }
0xe4: {  	[sflag:s9] =	ssyncadd.s32 $0xFFFF4000  }
0xe5: {  	_ =	swait.ge [sflag:s8], $0xC000  }
0xe6: {  	s1 =	sadd.s32 $0xFFFFFFFF, s1;
	s0 =	rddreg [dreg:$0x7];
	[sflag:s8] =	ssyncset.done $0x0  }
.LBB2_3:
0xe7: {  	[sflag:s8] =	ssyncadd.s32 @p0 $0xFFFF4000  }
0xe8: {  	[tilespmem:s2], [sflag:$0x5] =	stream.linear.gather [hbm4b:s0+s2], $0x80, $0x38;
	[tilespmem:$0x18400] =	vst v63  }
0xe9: {  	s1 =	rddreg [dreg:$0x8]  }
0xea: {  	[tilespmem:s16], [sflag:$0x6] =	stream.linear.gather [hbm4b:s1+s2], $0x80, $0x38;
	[tilespmem:$0x18400] =	vst v63  }
0xeb: {  	s0 =	rddreg [dreg:$0x9]  }
0xec: {  	[tilespmem:s14], [sflag:$0x5] =	stream.linear.gather [hbm4b:s0+s2], $0x80, $0x38;
	[tilespmem:$0x18400] =	vst v63  }
0xed: {  	_ = 	snop  }
0xee: {  	[tilespmem:s17], [sflag:$0x6] =	stream.linear.gather [hbm4b:s29+s2], $0x80, $0x38;
	[tilespmem:$0x18400] =	vst v63  }
0xef: {  	_ = 	snop  }
0xf0: {  	[tilespmem:s23], [sflag:$0x5] =	stream.linear.gather [hbm4b:s30+s2], $0x80, $0x38;
	[tilespmem:$0x18400] =	vst v63  }
0xf1: {  	_ = 	snop  }
0xf2: {  	[tilespmem:s18], [sflag:$0x6] =	stream.linear.gather [hbm4b:s31+s2], $0x80, $0x38;
	[tilespmem:$0x18400] =	vst v63  }
0xf3: {  	_ =	swait.ge [sflag:s28], $0x80  }
0xf4: {  	[sflag:s28] =	ssyncset.done $0x0  }
0xf5: {  	[sflag:s28] =	ssyncadd.s32 $0xFFFFFF80  }
0xf6: {  	_ =	swait.ge [sflag:s26], $0x80  }
0xf7: {  	[sflag:s26] =	ssyncset.done $0x0  }
0xf8: {  	[sflag:s26] =	ssyncadd.s32 $0xFFFFFF80  }
0xf9: {  	_ =	swait.ge [sflag:s28], $0x80  }
0xfa: {  	[sflag:s28] =	ssyncset.done $0x0  }
0xfb: {  	[sflag:s28] =	ssyncadd.s32 $0xFFFFFF80  }
0xfc: {  	_ =	swait.ge [sflag:s26], $0x80  }
0xfd: {  	[sflag:s26] =	ssyncset.done $0x0  }
0xfe: {  	[sflag:s26] =	ssyncadd.s32 $0xFFFFFF80  }
0xff: {  	_ =	swait.ge [sflag:s28], $0x80  }
0x100: {  	[sflag:s28] =	ssyncset.done $0x0  }
0x101: {  	[sflag:s28] =	ssyncadd.s32 $0xFFFFFF80  }
0x102: {  	_ =	swait.ge [sflag:s26], $0x80  }
0x103: {  	[sflag:s26] =	ssyncset.done $0x0  }
0x104: {  	[sflag:s26] =	ssyncadd.s32 $0xFFFFFF80  }
0x105: {  	[tilespmem:s11], [sflag:$0x1] =	stream.indirect.gather [hbm4b:s12+s14], $0x80, s2, s14, $0xb8;
	[tilespmem:$0x18400] =	vst v63  }
0x106: {  	_ = 	snop  }
0x107: {  	[tilespmem:s24], [sflag:$0x1] =	stream.indirect.gather [hbm4b:s12+s14], $0x80, s14, s14, $0xb8;
	[tilespmem:$0x18400] =	vst v63  }
0x108: {  	_ = 	snop  }
0x109: {  	[tilespmem:s25], [sflag:$0x1] =	stream.indirect.gather [hbm4b:s12+s14], $0x80, s23, s14, $0xb8;
	[tilespmem:$0x18400] =	vst v63  }
0x10a: {  	_ = 	snop  }
0x10b: {  	[tilespmem:s7], [sflag:$0x2] =	stream.indirect.gather [hbm4b:s10+s14], $0x80, s16, s14, $0xb8;
	[tilespmem:$0x18400] =	vst v63  }
0x10c: {  	_ = 	snop  }
0x10d: {  	[tilespmem:s20], [sflag:$0x2] =	stream.indirect.gather [hbm4b:s10+s14], $0x80, s17, s14, $0xb8;
	[tilespmem:$0x18400] =	vst v63  }
0x10e: {  	_ = 	snop  }
0x10f: {  	[tilespmem:s21], [sflag:$0x2] =	stream.indirect.gather [hbm4b:s10+s14], $0x80, s18, s14, $0xb8;
	[tilespmem:$0x18400] =	vst v63  }
0x110: {  	_ =	swait.ge [sflag:s19], $0x4000  }
0x111: {  	[sflag:s19] =	ssyncset.done $0x0  }
0x112: {  	[sflag:s19] =	ssyncadd.s32 $0xFFFFC000  }
0x113: {  	_ =	swait.ge [sflag:s19], $0x4000  }
0x114: {  	[sflag:s19] =	ssyncset.done $0x0  }
0x115: {  	[sflag:s19] =	ssyncadd.s32 $0xFFFFC000  }
0x116: {  	_ =	swait.ge [sflag:s19], $0x4000  }
0x117: {  	[sflag:s19] =	ssyncset.done $0x0  }
0x118: {  	[sflag:s19] =	ssyncadd.s32 $0xFFFFC000  }
0x119: {  	[hbm4b:s22+s2] =	stream.linear.scatter [tilespmem:s11], [sflag:$0x3], $0xC000, $0x38;
	[tilespmem:$0x18400] =	vst v63  }
0x11a: {  	_ =	swait.ge [sflag:s9], $0xC000  }
0x11b: {  	[sflag:s9] =	ssyncset.done $0x0  }
0x11c: {  	[sflag:s9] =	ssyncadd.s32 $0xFFFF4000  }
0x11d: {  	[tilespmem:s11], [sflag:$0x1] =	stream.indirect.gather [hbm4b:s5+s14], $0x80, s2, s14, $0xb8;
	[tilespmem:$0x18400] =	vst v63  }
0x11e: {  	_ = 	snop  }
0x11f: {  	[tilespmem:s24], [sflag:$0x1] =	stream.indirect.gather [hbm4b:s5+s14], $0x80, s14, s14, $0xb8;
	[tilespmem:$0x18400] =	vst v63  }
0x120: {  	_ = 	snop  }
0x121: {  	[tilespmem:s25], [sflag:$0x1] =	stream.indirect.gather [hbm4b:s5+s14], $0x80, s23, s14, $0xb8;
	[tilespmem:$0x18400] =	vst v63  }
0x122: {  	_ =	swait.ge [sflag:s13], $0x4000  }
0x123: {  	[sflag:s13] =	ssyncset.done $0x0  }
0x124: {  	[sflag:s13] =	ssyncadd.s32 $0xFFFFC000  }
0x125: {  	_ =	swait.ge [sflag:s13], $0x4000  }
0x126: {  	[sflag:s13] =	ssyncset.done $0x0  }
0x127: {  	[sflag:s13] =	ssyncadd.s32 $0xFFFFC000  }
0x128: {  	_ =	swait.ge [sflag:s13], $0x4000  }
0x129: {  	[sflag:s13] =	ssyncset.done $0x0  }
0x12a: {  	[sflag:s13] =	ssyncadd.s32 $0xFFFFC000  }
0x12b: {  	[hbm4b:s15+s2] =	stream.linear.scatter [tilespmem:s7], [sflag:$0x4], $0xC000, $0x38;
	[tilespmem:$0x18400] =	vst v63  }
0x12c: {  	_ =	swait.ge [sflag:s8], $0xC000  }
0x12d: {  	[sflag:s8] =	ssyncset.done $0x0  }
0x12e: {  	[sflag:s8] =	ssyncadd.s32 $0xFFFF4000  }
0x12f: {  	[tilespmem:s7], [sflag:$0x2] =	stream.indirect.gather [hbm4b:s3+s14], $0x80, s16, s14, $0xb8;
	[tilespmem:$0x18400] =	vst v63  }
0x130: {  	_ = 	snop  }
0x131: {  	[tilespmem:s20], [sflag:$0x2] =	stream.indirect.gather [hbm4b:s3+s14], $0x80, s17, s14, $0xb8;
	[tilespmem:$0x18400] =	vst v63  }
0x132: {  	_ = 	snop  }
0x133: {  	[tilespmem:s21], [sflag:$0x2] =	stream.indirect.gather [hbm4b:s3+s14], $0x80, s18, s14, $0xb8;
	[tilespmem:$0x18400] =	vst v63  }
0x134: {  	_ =	swait.ge [sflag:s19], $0x4000  }
0x135: {  	[sflag:s19] =	ssyncset.done $0x0  }
0x136: {  	[sflag:s19] =	ssyncadd.s32 $0xFFFFC000  }
0x137: {  	_ =	swait.ge [sflag:s19], $0x4000  }
0x138: {  	[sflag:s19] =	ssyncset.done $0x0  }
0x139: {  	[sflag:s19] =	ssyncadd.s32 $0xFFFFC000  }
0x13a: {  	_ =	swait.ge [sflag:s19], $0x4000  }
0x13b: {  	[sflag:s19] =	ssyncset.done $0x0  }
0x13c: {  	[sflag:s19] =	ssyncadd.s32 $0xFFFFC000  }
0x13d: {  	[hbm4b:s6+s2] =	stream.linear.scatter [tilespmem:s11], [sflag:$0x3], $0xC000, $0x38;
	[tilespmem:$0x18400] =	vst v63  }
0x13e: {  	_ =	swait.ge [sflag:s13], $0x4000  }
0x13f: {  	[sflag:s13] =	ssyncset.done $0x0  }
0x140: {  	[sflag:s13] =	ssyncadd.s32 $0xFFFFC000  }
0x141: {  	_ =	swait.ge [sflag:s13], $0x4000  }
0x142: {  	[sflag:s13] =	ssyncset.done $0x0  }
0x143: {  	[sflag:s13] =	ssyncadd.s32 $0xFFFFC000  }
0x144: {  	_ =	swait.ge [sflag:s13], $0x4000  }
0x145: {  	[sflag:s13] =	ssyncset.done $0x0  }
0x146: {  	[sflag:s13] =	ssyncadd.s32 $0xFFFFC000  }
0x147: {  	[hbm4b:s4+s2] =	stream.linear.scatter [tilespmem:s7], [sflag:$0x4], $0xC000, $0x38;
	[tilespmem:$0x18400] =	vst v63  }
0x148: {  	_ =	swait.ge [sflag:s9], $0xC000  }
0x149: {  	[sflag:s9] =	ssyncset.done $0x0  }
0x14a: {  	[sflag:s9] =	ssyncadd.s32 $0xFFFF4000  }
0x14b: {  	_ =	swait.ge [sflag:s8], $0xC000  }
0x14c: {  	[sflag:s8] =	ssyncset.done $0x0  }
0x14d: {  	[sflag:s8] =	ssyncadd.s32 $0xFFFF4000  }
0x14e: {  	_ =	sfence.sel $0x180000  }
0x14f: {  	[bflag:$0x0] =	sbarrier.arrive $0xFFFF  }
0x150: {  	_ =	strace $0x90000047  }
0x151: {  	s31 =	stileid.u32;
	[bflag:$0x2] =	sbarrier.arrive $0xFFFF  }
0x152: {  	p0 =	sne.s32 s31, $0x0;
	s0 =	rddreg [dreg:$0x6]  }
0x153: {  	s0 =	sadd.s32 @!p0 $0x100000, s0  }
0x154: {  	[sflag:s0] =	ssyncadd.tile.s32 @!p0 $0x1;
	_ =	shalt  }
.Lfunc_end2:
_tile_overlayer_lowered:
.L_overlay_start_2:
0x155: {  	(tag) =	ssettag $0x2  }
0x156: {  	s0 =	rddreg [dreg:$0x0];
	s2 =	stileid.u32  }
0x157: {  	s1 =	rddreg [dreg:$0x1];
	p0 =	sne.s32 s2, $0x0  }
0x158: {  	s3 =	rddreg [dreg:$0x2];
	[bflag:$0x3] =	sbarrier.arrive $0xFFFF;
	s2 =	simm.s32 @!p0 $0x1C07  }
0x159: {  	[timem:s3], [sflag:s2] =	dma.local @!p0 [hbm:s0], s1  }
0x15a: {  	s0 =	simm.s32 @!p0 $0x7  }
0x15b: {  	_ =	swait.ge @!p0 [sflag:s0], s1  }
0x15c: {  	s1 =	ssub.s32 @!p0 $0x0, s1;
	[sflag:s0] =	ssyncset.done @!p0 $0x0  }
0x15d: {  	[sflag:s0] =	ssyncadd.s32 @!p0 s1  }
0x15e: {  	[bflag:$0x3] =	sbarrier.arrive $0xFFFF  }
0x15f: {  	_ =	shalt  }

// kernel: kernel.9.cloned.1.call-start
scs
__scs_entry_jumppad:
0x0: {  	(pc) =	sbr.rel $0x88, $3  }
0x1: {  	(tag) =	ssettag $0x0;
	lr =	simm.s32 $0x1  }
0x2: {  	[smem:$0x3F8E] =	sst lr;
	_ =	strace $0xD0000000  }
0x3: {  	_ = 	snop  }
0x4: {  	_ = 	snop  }
0x5: {  	_ = 	snop  }
0x6: {  	_ = 	snop  }
0x7: {  	_ = 	snop  }
__scs_overlays_trampoline_lowered:
0x8: {  	[smem:$0x3F9D] =	sst s0  }
0x9: {  	[smem:$0x3F9E] =	sst s1  }
0xa: {  	[smem:$0x3F9F] =	sst s2  }
0xb: {  	[smem:$0x3FA0] =	sst s3  }
0xc: {  	[smem:$0x3FA1] =	sst s4  }
0xd: {  	[smem:$0x3FA2] =	sst s5  }
0xe: {  	[smem:$0x3FA3] =	sst s6  }
0xf: {  	[smem:$0x3FA4] =	sst s7  }
0x10: {  	[smem:$0x3FA5] =	sst s8  }
0x11: {  	[smem:$0x3FA6] =	sst s9;
	s0 =	simm.s32 @!p0 $0x0  }
0x12: {  	s1 =	sld [smem:$0x3F8C];
	s0 =	simm.s32 @p0 $0x1  }
0x13: {  	[smem:$0x3FA7] =	sst s0;
	s0 =	simm.s32 @!p1 $0x0  }
0x14: {  	s2 =	sld [smem:$0x3F8B];
	s0 =	simm.s32 @p1 $0x1  }
0x15: {  	[smem:$0x3FA8] =	sst s0;
	s0 =	simm.s32 @!p2 $0x0  }
0x16: {  	s3 =	sld [smem:$0x3FDB];
	s0 =	simm.s32 @p2 $0x1  }
0x17: {  	s4 =	simm.s32 $0x1BF5;
	[smem:$0x3FAA] =	sst s0  }
0x18: {  	s0 =	sld [smem:$0x3F8D];
	_ =	swait.ge [sflag:s4], $0x0  }
0x19: {  	s7 =	sld [smem:$0x3F8E]  }
0x1a: {  	s8 =	sadd.s32 $0xFFFFE003, lr  }
0x1b: {  	s9 =	sadd.s32 $0xFFFFFEF7, lr;
	s5 =	simm.s32 $0xFFFFFFFF;
	p2 =	slt.u32 s8, $0xFFFFF086  }
0x1c: {  	p1 =	slt.u32 s9, $0xF7A;
	s5 =	simm.s32 @!p2 $0x0  }
0x1d: {  	s5 =	simm.s32 @p1 $0x1;
	p0 =	seq.s32 s7, s2  }
0x1e: {  	s7 =	smul.u32 @!p0 $0xF7A, s2;
	p2 =	seq.s32 @!p0 s5, $0x0  }
0x1f: {  	s9 =	smul.u32 $0xF7A, s1;
	s8 =	simm.s32 @!p0 $0x1BF5;
	p2 =	por !p2, p0  }
0x20: {  	[sflag:s8] =	ssyncset.s32 @!p0 $0xFFFFF086;
	s6 =	sadd.s32 @!p0 s3, s7;
	s7 =	simm.s32 @!p0 $0x108  }
0x21: {  	s3 =	sadd.s32 s3, s9;
	s6 =	sadd.s32 @!p0 $0x88, s6;
	s7 =	simm.s32 @p2 $0x1082  }
0x22: {  	[simem:s7], [sflag:s8] =	dma.local @!p0 [hbm:s6], $0xF7A  }
0x23: {  	s9 =	sor.u32 $0xD0000000, s2;
	s6 =	simm.s32 $0x108;
	_ =	swait.ge @!p0 [sflag:s8], $0x0  }
0x24: {  	s3 =	sadd.s32 $0x88, s3;
	s6 =	simm.s32 @!p1 $0x1082;
	[sflag:s4] =	ssyncset.s32 $0xFFFFF086  }
0x25: {  	[simem:s6], [sflag:s4] =	dma.local [hbm:s3], $0xF7A  }
0x26: {  	[smem:$0x3F8E] =	sst s1;
	(tag) =	ssettag s2;
	_ =	strace s9  }
0x27: {  	s1 =	sld [smem:$0x3F9E]  }
0x28: {  	s2 =	sld [smem:$0x3F9F]  }
0x29: {  	s4 =	sld [smem:$0x3FA1]  }
0x2a: {  	p0 =	seq.s32 s5, $0x0;
	s5 =	sld [smem:$0x3FA2]  }
0x2b: {  	s6 =	sld [smem:$0x3FA3]  }
0x2c: {  	s7 =	sld [smem:$0x3FA4]  }
0x2d: {  	s3 =	simm.s32 $0x108;
	s8 =	sld [smem:$0x3FA5]  }
0x2e: {  	s3 =	simm.s32 @!p0 $0x1082;
	s9 =	sld [smem:$0x3FA6]  }
0x2f: {  	lr =	sadd.s32 s0, s3;
	s0 =	sld [smem:$0x3F9D]  }
0x30: {  	s3 =	sld [smem:$0x3FA0]  }
0x31: {  	[smem:$0x3FA9] =	sst s10  }
0x32: {  	s10 =	sld [smem:$0x3FA7];
	_ =	sdelay $0x3  }
0x33: {  	p0 =	seq.s32 s10, $0x1;
	s10 =	sld [smem:$0x3FA9];
	_ =	sdelay $0x3  }
0x34: {  	[smem:$0x3FA9] =	sst s10  }
0x35: {  	s10 =	sld [smem:$0x3FA8];
	_ =	sdelay $0x3  }
0x36: {  	p1 =	seq.s32 s10, $0x1;
	s10 =	sld [smem:$0x3FA9];
	_ =	sdelay $0x3  }
0x37: {  	[smem:$0x3FA9] =	sst s10  }
0x38: {  	s10 =	sld [smem:$0x3FAA]  }
0x39: {  	_ = 	snop;
	(pc) =	sbr.ind lr, $3  }
0x3a: {  	_ = 	snop  }
0x3b: {  	_ = 	snop  }
0x3c: {  	p2 =	seq.s32 s10, $0x1;
	s10 =	sld [smem:$0x3FA9]  }
0x3d: {  	_ =	shalt  }
0x3e: {  	_ =	shalt  }
0x3f: {  	_ =	shalt  }
0x40: {  	_ =	shalt  }
0x41: {  	_ =	shalt  }
0x42: {  	_ =	shalt  }
0x43: {  	_ =	shalt  }
0x44: {  	_ =	shalt  }
0x45: {  	_ =	shalt  }
0x46: {  	_ =	shalt  }
0x47: {  	_ =	shalt  }
0x48: {  	_ =	shalt  }
0x49: {  	_ =	shalt  }
0x4a: {  	_ =	shalt  }
0x4b: {  	_ =	shalt  }
0x4c: {  	_ =	shalt  }
0x4d: {  	_ =	shalt  }
0x4e: {  	_ =	shalt  }
0x4f: {  	_ =	shalt  }
0x50: {  	_ =	shalt  }
0x51: {  	_ =	shalt  }
0x52: {  	_ =	shalt  }
0x53: {  	_ =	shalt  }
0x54: {  	_ =	shalt  }
0x55: {  	_ =	shalt  }
0x56: {  	_ =	shalt  }
0x57: {  	_ =	shalt  }
0x58: {  	_ =	shalt  }
0x59: {  	_ =	shalt  }
0x5a: {  	_ =	shalt  }
0x5b: {  	_ =	shalt  }
0x5c: {  	_ =	shalt  }
0x5d: {  	_ =	shalt  }
0x5e: {  	_ =	shalt  }
0x5f: {  	_ =	shalt  }
0x60: {  	_ =	shalt  }
0x61: {  	_ =	shalt  }
0x62: {  	_ =	shalt  }
0x63: {  	_ =	shalt  }
0x64: {  	_ =	shalt  }
0x65: {  	_ =	shalt  }
0x66: {  	_ =	shalt  }
0x67: {  	_ =	shalt  }
0x68: {  	_ =	shalt  }
0x69: {  	_ =	shalt  }
0x6a: {  	_ =	shalt  }
0x6b: {  	_ =	shalt  }
0x6c: {  	_ =	shalt  }
0x6d: {  	_ =	shalt  }
0x6e: {  	_ =	shalt  }
0x6f: {  	_ =	shalt  }
0x70: {  	_ =	shalt  }
0x71: {  	_ =	shalt  }
0x72: {  	_ =	shalt  }
0x73: {  	_ =	shalt  }
0x74: {  	_ =	shalt  }
0x75: {  	_ =	shalt  }
0x76: {  	_ =	shalt  }
0x77: {  	_ =	shalt  }
0x78: {  	_ =	shalt  }
0x79: {  	_ =	shalt  }
0x7a: {  	_ =	shalt  }
0x7b: {  	_ =	shalt  }
0x7c: {  	_ =	shalt  }
0x7d: {  	_ =	shalt  }
0x7e: {  	_ =	shalt  }
0x7f: {  	_ =	shalt  }
0x80: {  	_ =	shalt  }
0x81: {  	_ =	shalt  }
0x82: {  	_ =	shalt  }
0x83: {  	_ =	shalt  }
0x84: {  	_ =	shalt  }
0x85: {  	_ =	shalt  }
0x86: {  	_ =	shalt  }
0x87: {  	_ =	shalt  }
.Lfunc_end0:
.L_simem_size_0:
called_computation.1_lowered:
.L_overlay_start_0:
0x88: {  	s2 =	sld [smem:$0x3FD9]  }
0x89: {  	s3 =	sld [smem:$0x3FFE];
	_ =	sdelay $0x1  }
0x8a: {  	s1 =	srdreg.scid  }
0x8b: {  	s0 =	sand.u32 $0x1, s1  }
0x8c: {  	s17 =	sshll.u32 s0, $0xA;
	s2 =	sadd.s32 s3, s2  }
0x8d: {  	s2 =	sadd.s32 s2, s17  }
0x8e: {  	[smem:$0x3FB5] =	sst s2  }
0x8f: {  	_ = 	snop  }
0x90: {  	s18 =	sld [smem:$0x3FC8]  }
0x91: {  	s4 =	sld [smem:$0x3FC7]  }
0x92: {  	s5 =	sld [smem:$0x3FC6]  }
0x93: {  	s6 =	sld [smem:$0x3FC5];
	(tm) =	ssettm $0x1  }
0x94: {  	s19 =	sld [smem:$0x3FFB];
	_ =	sdelay $0x3  }
0x95: {  	_ =	strace s19  }
0x96: {  	s2 =	sld [smem:$0x3FFC];
	_ =	sdelay $0x3  }
0x97: {  	_ =	strace s2  }
0x98: {  	s2 =	sld [smem:$0x3FFD];
	_ =	sdelay $0x3  }
0x99: {  	_ =	strace s2  }
0x9a: {  	_ =	strace $0x8FFFFFFF  }
0x9b: {  	s20 =	sld [smem:$0x3FDB];
	_ =	sdelay $0x1  }
0x9c: {  	s7 =	simm.s32 $_scs_section_size  }
0x9d: {  	s8 =	simm.s32 $_size__tile_overlayer_lowered;
	s9 =	simm.s32 $_tile_overlayer_lowered  }
0x9e: {  	s10 =	simm.s32 $0x1BFF;
	s21 =	sshll.u32 s9, $0x1;
	s7 =	sadd.s32 s7, s20  }
0x9f: {  	s22 =	simm.s32 $0x0;
	s8 =	sshll.u32 s8, $0x1;
	s9 =	sadd.s32 s21, s7  }
0xa0: {  	[timem:s22], [sflag:s10] =	dma.local [hbm:s9], s8  }
0xa1: {  	_ =	swait.ge [sflag:s10], s8  }
0xa2: {  	s8 =	ssub.s32 $0x0, s8;
	[sflag:s10] =	ssyncset.done $0x0  }
0xa3: {  	[sflag:s10] =	ssyncadd.s32 s8;
	_ =	sdelay $0x1  }
0xa4: {  	s23 =	simm.s32 $0x1B8B  }
0xa5: {  	_ =	swait.ge [sflag:s23], $0x1  }
0xa6: {  	[sflag:s23] =	ssyncset.done $0x0  }
0xa7: {  	[sflag:s23] =	ssyncadd.s32 $0xFFFFFFFF  }
0xa8: {  	s8 =	sld [smem:$0x0]  }
0xa9: {  	s9 =	sand.u32 $0xFFFFFFFE, s1  }
0xaa: {  	p0 =	sne.s32 s1, s9  }
0xab: {  	s9 =	sshll.u32 @p0 s9, $0xE  }
0xac: {  	s9 =	sadd.s32 @p0 $0x11B8D, s9;
	s10 =	sshll.u32 @p0 s8, $0x11  }
0xad: {  	s9 =	sor.u32 @p0 s10, s9  }
0xae: {  	[sflag:s9] =	ssyncadd.remote.s32 @p0 $0x1;
	_ =	sdelay $0x1  }
0xaf: {  	s9 =	simm.s32 @p0 $0x1B8D  }
0xb0: {  	_ =	swait.eq @p0 [sflag:s9], $0x1  }
0xb1: {  	[sflag:s9] =	ssyncadd.s32 @p0 $0xFFFFFFFF  }
0xb2: {  	s10 =	sshll.u32 @!p0 s1, $0xE  }
0xb3: {  	s10 =	sor.u32 @!p0 $0x4000, s10;
	s9 =	simm.s32 @!p0 $0x1B8D  }
0xb4: {  	s8 =	sshll.u32 @!p0 s8, $0x11;
	s10 =	sadd.s32 @!p0 $0x11B8D, s10;
	_ =	swait.eq @!p0 [sflag:s9], $0x1  }
0xb5: {  	s8 =	sor.u32 @!p0 s8, s10;
	[sflag:s9] =	ssyncadd.s32 @!p0 $0xFFFFFFFF  }
0xb6: {  	s25 =	simm.s32 $0x1B8E;
	s24 =	sld [smem:$0x3FFE];
	[sflag:s8] =	ssyncadd.remote.s32 @!p0 $0x1  }
0xb7: {  	s26 =	simm.s32 $execute0_lowered;
	[smem:$0x3FD2] =	sst s25  }
0xb8: {  	s9 =	sshll.u32 s26, $0x1;
	_ =	strace $0x80000049;
	[dreg:$0x1] =	wrdreg $0xFFFFFFFF  }
0xb9: {  	s28 =	simm.s32 $_size_execute0_lowered;
	s7 =	sadd.s32 s7, s9;
	[dreg:$0x0] =	wrdreg $0x0  }
0xba: {  	s9 =	sshll.u32 s28, $0x1;
	[dreg:$0x2] =	wrdreg s7  }
0xbb: {  	[dreg:$0x3] =	wrdreg s9  }
0xbc: {  	[dreg:$0x4] =	wrdreg $0xC0  }
0xbd: {  	_ =	task [dreg:s22], $0x5FFFF  }
0xbe: {  	[dreg:$0x1] =	wrdreg $0xFFFFFFFF  }
0xbf: {  	[dreg:$0x0] =	wrdreg $0x60  }
0xc0: {  	[dreg:$0x2] =	wrdreg s24  }
0xc1: {  	[dreg:$0x3] =	wrdreg s18  }
0xc2: {  	[dreg:$0x4] =	wrdreg s4  }
0xc3: {  	[dreg:$0x5] =	wrdreg s5  }
0xc4: {  	[dreg:$0x6] =	wrdreg s6  }
0xc5: {  	[dreg:$0x7] =	wrdreg $0xA  }
0xc6: {  	_ =	task.clear_ibuf [dreg:s22], $0x8FFFF;
	_ =	strace $0x90000049  }
0xc7: {  	s29 =	simm.s32 $0xA;
	_ =	strace $0x8000004B  }
0xc8: {  	_ =	swait.ge [sflag:s29], $0x1  }
0xc9: {  	[sflag:s29] =	ssyncadd.s32 $0xFFFFFFFF  }
0xca: {  	_ =	strace $0x9000004B  }
0xcb: {  	_ =	sfence  }
0xcc: {  	s30 =	sld [smem:$0x0];
	_ =	sdelay $0x2  }
0xcd: {  	s31 =	sshll.u32 s1, $0xD;
	s1 =	sshrl.u32 s1, $0x2  }
0xce: {  	s4 =	sand.u32 $0x4000, s31;
	s1 =	sadd.s32 s1, s30  }
0xcf: {  	s0 =	sor.u32 s4, s0;
	s1 =	sshll.u32 s1, $0x11  }
0xd0: {  	s0 =	sor.u32 s1, s0  }
0xd1: {  	s0 =	sadd.s32 $0x8F2B, s0  }
0xd2: {  	[sflag:s0] =	ssyncadd.remote.s32 $0x1  }
0xd3: {  	_ =	sfence.sel $0xFFFF  }
0xd4: {  	[dreg:$0x0] =	wrdreg $0xFFFFFFFF;
	(pc) =	sbr.abs _section_cstart, $3  }
0xd5: {  	[dreg:$0x1] =	wrdreg $0xFFFFFFFF  }
0xd6: {  	_ =	task.clear_ibuf [dreg:s22], $0x2FFFF;
	_ =	strace $0x9FFFFFFF  }
0xd7: {  	(tm) =	ssettm $0x7FFFFFFF  }
tec
execute0_lowered:
.L_overlay_start_1:
0x0: {  	(tag) =	ssettag $0x1  }
0x1: {  	s15 =	rddreg [dreg:$0x0];
	s3 =	srdreg.scid  }
0x2: {  	s1 =	rddreg [dreg:$0x1];
	s0 =	stileid.u32;
	s21 =	sand.u32 $0x1, s3  }
0x3: {  	s2 =	rddreg [dreg:$0x2];
	s30 =	sshll.u32 s0, $0x8;
	s6 =	sshll.u32 s21, $0x7  }
0x4: {  	s4 =	rddreg [dreg:$0x3];
	s16 =	sor.u32 s6, s30  }
0x5: {  	s5 =	rddreg [dreg:$0x4];
	s6 =	simm.s32 $0x0;
	s7 =	sshrl.u32 s16, $0x3  }
0x6: {  	[smem:$0x7FF] =	sst s6;
	s8 =	sadd.s32 s7, s15  }
0x7: {  	s3 =	rddreg [dreg:$0x5];
	_ =	strace $0x8000004A;
	s7 =	sadd.s32 $0xC4400, s8  }
0x8: {  	[tilespmem:s6], [sflag:$0x5] =	stream.linear.gather [hbm4b:s7+s6], $0x80, $0x38;
	[tilespmem:$0x8100] =	vst v63  }
0x9: {  	s9 =	simm.s32 $0x80;
	s10 =	simm.s32 $0x5;
	s8 =	sadd.s32 $0xC4600, s8  }
0xa: {  	[tilespmem:s9], [sflag:$0x6] =	stream.linear.gather [hbm4b:s8+s6], $0x80, $0x38;
	[tilespmem:$0x8100] =	vst v63  }
0xb: {  	_ =	swait.ge [sflag:s10], $0x80  }
0xc: {  	[sflag:s10] =	ssyncset.done $0x0  }
0xd: {  	s11 =	simm.s32 $0x6;
	[sflag:s10] =	ssyncadd.s32 $0xFFFFFF80  }
0xe: {  	_ =	swait.ge [sflag:s11], $0x80  }
0xf: {  	[sflag:s11] =	ssyncset.done $0x0  }
0x10: {  	s12 =	simm.s32 $0x100;
	[sflag:s11] =	ssyncadd.s32 $0xFFFFFF80  }
0x11: {  	[tilespmem:s12], [sflag:$0x1] =	stream.indirect.gather [hbm4b:s1+s9], $0x80, s6, s9, $0xb8;
	[tilespmem:$0x8100] =	vst v63  }
0x12: {  	s13 =	simm.s32 $0x4100;
	s14 =	simm.s32 $0x1  }
0x13: {  	[tilespmem:s13], [sflag:$0x2] =	stream.indirect.gather [hbm4b:s2+s9], $0x80, s9, s9, $0xb8;
	[tilespmem:$0x8100] =	vst v63  }
0x14: {  	s16 =	sshll.u32 s16, $0x4;
	_ =	swait.ge [sflag:s14], $0x4000  }
0x15: {  	s22 =	sadd.s32 s16, s15;
	[sflag:s14] =	ssyncset.done $0x0  }
0x16: {  	s16 =	simm.s32 $0x3;
	s15 =	sadd.s32 $0xC4800, s22;
	[sflag:s14] =	ssyncadd.s32 $0xFFFFC000  }
0x17: {  	[hbm4b:s15+s6] =	stream.linear.scatter [tilespmem:s12], [sflag:$0x3], $0x4000, $0x38;
	[tilespmem:$0x8100] =	vst v63  }
0x18: {  	_ =	swait.ge [sflag:s16], $0x4000  }
0x19: {  	[sflag:s16] =	ssyncset.done $0x0  }
0x1a: {  	s17 =	simm.s32 $0x2;
	[sflag:s16] =	ssyncadd.s32 $0xFFFFC000  }
0x1b: {  	[tilespmem:s12], [sflag:$0x1] =	stream.indirect.gather [hbm4b:s4+s9], $0x80, s6, s9, $0xb8;
	[tilespmem:$0x8100] =	vst v63  }
0x1c: {  	_ =	swait.ge [sflag:s17], $0x4000  }
0x1d: {  	[sflag:s17] =	ssyncset.done $0x0  }
0x1e: {  	s18 =	simm.s32 $0x4;
	s19 =	sadd.s32 $0xD4800, s22;
	[sflag:s17] =	ssyncadd.s32 $0xFFFFC000  }
0x1f: {  	[hbm4b:s19+s6] =	stream.linear.scatter [tilespmem:s13], [sflag:$0x4], $0x4000, $0x38;
	[tilespmem:$0x8100] =	vst v63  }
0x20: {  	_ =	swait.ge [sflag:s18], $0x4000  }
0x21: {  	[sflag:s18] =	ssyncset.done $0x0  }
0x22: {  	[sflag:s18] =	ssyncadd.s32 $0xFFFFC000  }
0x23: {  	[tilespmem:s13], [sflag:$0x2] =	stream.indirect.gather [hbm4b:s5+s9], $0x80, s9, s9, $0xb8;
	[tilespmem:$0x8100] =	vst v63  }
0x24: {  	_ =	swait.ge [sflag:s14], $0x4000  }
0x25: {  	s23 =	ssub.s32 $0x2, s21;
	[sflag:s14] =	ssyncset.done $0x0  }
0x26: {  	s31 =	sshrl.u32 s23, $0x1;
	s20 =	sadd.s32 $0xE4800, s22;
	[sflag:s14] =	ssyncadd.s32 $0xFFFFC000  }
0x27: {  	[hbm4b:s20+s6] =	stream.linear.scatter [tilespmem:s12], [sflag:$0x3], $0x4000, $0x38;
	[tilespmem:$0x8100] =	vst v63  }
0x28: {  	s21 =	sadd.s32 $0xF4800, s22;
	s22 =	ssub.s32 s23, s31;
	_ =	swait.ge [sflag:s17], $0x4000  }
0x29: {  	s22 =	smax.u32 s22, $0x1;
	[sflag:s17] =	ssyncset.done $0x0  }
0x2a: {  	p0 =	sne.s32 s22, $0x1;
	[sflag:s17] =	ssyncadd.s32 $0xFFFFC000  }
0x2b: {  	[hbm4b:s21+s6] =	stream.linear.scatter [tilespmem:s13], [sflag:$0x4], $0x4000, $0x38;
	[tilespmem:$0x8100] =	vst v63  }
.Ltmp0:
0x2c: {  	_ =	swait.ge [sflag:s16], $0x4000;
	(pc) =	sbr.rel @!p0 .LBB2_2-.Ltmp0, $4  }
0x2d: {  	[sflag:s16] =	ssyncset.done $0x0  }
0x2e: {  	[sflag:s16] =	ssyncadd.s32 $0xFFFFC000  }
0x2f: {  	_ =	swait.ge [sflag:s18], $0x4000  }
0x30: {  	s22 =	sadd.s32 $0xFFFFFFFF, s22;
	[sflag:s18] =	ssyncset.done $0x0  }
.LBB2_1:
0x31: {  	p0 =	sne.s32 s22, $0x1;
	s22 =	sadd.s32 $0xFFFFFFFF, s22;
	[sflag:s18] =	ssyncadd.s32 $0xFFFFC000  }
0x32: {  	[tilespmem:s6], [sflag:$0x5] =	stream.linear.gather [hbm4b:s7+s6], $0x80, $0x38;
	[tilespmem:$0x8100] =	vst v63  }
0x33: {  	_ = 	snop  }
0x34: {  	[tilespmem:s9], [sflag:$0x6] =	stream.linear.gather [hbm4b:s8+s6], $0x80, $0x38;
	[tilespmem:$0x8100] =	vst v63  }
0x35: {  	_ =	swait.ge [sflag:s10], $0x80  }
0x36: {  	[sflag:s10] =	ssyncset.done $0x0  }
0x37: {  	[sflag:s10] =	ssyncadd.s32 $0xFFFFFF80  }
0x38: {  	_ =	swait.ge [sflag:s11], $0x80  }
0x39: {  	[sflag:s11] =	ssyncset.done $0x0  }
0x3a: {  	[sflag:s11] =	ssyncadd.s32 $0xFFFFFF80  }
0x3b: {  	[tilespmem:s12], [sflag:$0x1] =	stream.indirect.gather [hbm4b:s1+s9], $0x80, s6, s9, $0xb8;
	[tilespmem:$0x8100] =	vst v63  }
0x3c: {  	_ = 	snop  }
0x3d: {  	[tilespmem:s13], [sflag:$0x2] =	stream.indirect.gather [hbm4b:s2+s9], $0x80, s9, s9, $0xb8;
	[tilespmem:$0x8100] =	vst v63  }
0x3e: {  	_ =	swait.ge [sflag:s14], $0x4000  }
0x3f: {  	[sflag:s14] =	ssyncset.done $0x0  }
0x40: {  	[sflag:s14] =	ssyncadd.s32 $0xFFFFC000  }
0x41: {  	[hbm4b:s15+s6] =	stream.linear.scatter [tilespmem:s12], [sflag:$0x3], $0x4000, $0x38;
	[tilespmem:$0x8100] =	vst v63  }
0x42: {  	_ =	swait.ge [sflag:s16], $0x4000  }
0x43: {  	[sflag:s16] =	ssyncset.done $0x0  }
0x44: {  	[sflag:s16] =	ssyncadd.s32 $0xFFFFC000  }
0x45: {  	[tilespmem:s12], [sflag:$0x1] =	stream.indirect.gather [hbm4b:s4+s9], $0x80, s6, s9, $0xb8;
	[tilespmem:$0x8100] =	vst v63  }
0x46: {  	_ =	swait.ge [sflag:s17], $0x4000  }
0x47: {  	[sflag:s17] =	ssyncset.done $0x0  }
0x48: {  	[sflag:s17] =	ssyncadd.s32 $0xFFFFC000  }
0x49: {  	[hbm4b:s19+s6] =	stream.linear.scatter [tilespmem:s13], [sflag:$0x4], $0x4000, $0x38;
	[tilespmem:$0x8100] =	vst v63  }
0x4a: {  	_ =	swait.ge [sflag:s18], $0x4000  }
0x4b: {  	[sflag:s18] =	ssyncset.done $0x0  }
0x4c: {  	[sflag:s18] =	ssyncadd.s32 $0xFFFFC000  }
0x4d: {  	[tilespmem:s13], [sflag:$0x2] =	stream.indirect.gather [hbm4b:s5+s9], $0x80, s9, s9, $0xb8;
	[tilespmem:$0x8100] =	vst v63  }
0x4e: {  	_ =	swait.ge [sflag:s14], $0x4000  }
0x4f: {  	[sflag:s14] =	ssyncset.done $0x0  }
0x50: {  	[sflag:s14] =	ssyncadd.s32 $0xFFFFC000  }
0x51: {  	[hbm4b:s20+s6] =	stream.linear.scatter [tilespmem:s12], [sflag:$0x3], $0x4000, $0x38;
	[tilespmem:$0x8100] =	vst v63  }
0x52: {  	_ =	swait.ge [sflag:s17], $0x4000  }
0x53: {  	[sflag:s17] =	ssyncset.done $0x0  }
0x54: {  	[sflag:s17] =	ssyncadd.s32 $0xFFFFC000  }
0x55: {  	[hbm4b:s21+s6] =	stream.linear.scatter [tilespmem:s13], [sflag:$0x4], $0x4000, $0x38;
	[tilespmem:$0x8100] =	vst v63  }
.Ltmp1:
0x56: {  	_ =	swait.ge [sflag:s16], $0x4000;
	(pc) =	sbr.rel @p0 .LBB2_1-.Ltmp1, $4  }
0x57: {  	[sflag:s16] =	ssyncset.done $0x0  }
0x58: {  	[sflag:s16] =	ssyncadd.s32 $0xFFFFC000  }
0x59: {  	_ =	swait.ge [sflag:s18], $0x4000  }
0x5a: {  	[sflag:s18] =	ssyncset.done $0x0  }
.LBB2_2:
0x5b: {  	[sflag:s18] =	ssyncadd.s32 $0xFFFFC000  }
0x5c: {  	_ =	sfence.sel $0x180000  }
0x5d: {  	[bflag:$0x0] =	sbarrier.arrive $0xFFFF  }
0x5e: {  	p0 =	sne.s32 s0, $0x0;
	_ =	strace $0x9000004A  }
0x5f: {  	s0 =	sadd.s32 @!p0 $0x100000, s3;
	[bflag:$0x2] =	sbarrier.arrive $0xFFFF  }
0x60: {  	[sflag:s0] =	ssyncadd.tile.s32 @!p0 $0x1;
	_ =	shalt  }
.Lfunc_end2:
_tile_overlayer_lowered:
.L_overlay_start_2:
0x61: {  	(tag) =	ssettag $0x2  }
0x62: {  	s0 =	rddreg [dreg:$0x0];
	s2 =	stileid.u32  }
0x63: {  	s1 =	rddreg [dreg:$0x1];
	p0 =	sne.s32 s2, $0x0  }
0x64: {  	s3 =	rddreg [dreg:$0x2];
	[bflag:$0x3] =	sbarrier.arrive $0xFFFF;
	s2 =	simm.s32 @!p0 $0x1C07  }
0x65: {  	[timem:s3], [sflag:s2] =	dma.local @!p0 [hbm:s0], s1  }
0x66: {  	s0 =	simm.s32 @!p0 $0x7  }
0x67: {  	_ =	swait.ge @!p0 [sflag:s0], s1  }
0x68: {  	s1 =	ssub.s32 @!p0 $0x0, s1;
	[sflag:s0] =	ssyncset.done @!p0 $0x0  }
0x69: {  	[sflag:s0] =	ssyncadd.s32 @!p0 s1  }
0x6a: {  	[bflag:$0x3] =	sbarrier.arrive $0xFFFF  }
0x6b: {  	_ =	shalt  }

</sc_bundles>
